<compile_context>
chip_gen: v7x
topology: tpu7x:2x2x1
jax: 0.10.2.dev20260603
libtpu: 0.0.44.dev20260713+nightly
codegen_flags: <defaults>
</compile_context>

<pallas_src>
import functools

import jax
import jax.numpy as jnp
from jax import lax
from jax.experimental import pallas as pl
from jax.experimental.pallas import tpu as pltpu
from jax.experimental.pallas import tpu_sc as plsc

_N = 100000
_E = 6400000

_NC = 2
_NS = 16
_L = 16
_NW = _NC * _NS
_C = 5120
_TCH = _E // _C
_KMAX = -(-_TCH // _NW)


_TS = 6256


@functools.cache
def _build_table_sc():
    mesh = plsc.VectorSubcoreMesh(
        core_axis_name="c", subcore_axis_name="s", num_cores=_NC, num_subcores=_NS
    )
    return pl.kernel(
        _table_sc_body,
        out_type=jax.ShapeDtypeStruct((_N,), jnp.float32),
        mesh=mesh,
        scratch_types=[
            pltpu.VMEM((_TS,), jnp.float32),
            pltpu.VMEM((_TS,), jnp.float32),
            pltpu.VMEM((_L,), jnp.float32),
            pltpu.VMEM((_L,), jnp.float32),
            pltpu.VMEM((_NS * _L,), jnp.float32),
            pltpu.VMEM((_NS * _L,), jnp.float32),
            pltpu.VMEM_SHARED((_NS * _L,), jnp.float32),
            pltpu.VMEM_SHARED((_NS * _L,), jnp.float32),
        ],
        compiler_params=pltpu.CompilerParams(needs_layout_passes=False),
    )


def _table_sc_body(x_hbm, t_hbm, xv, sv, mnst, mxst, mnv, mxv, shmn, shmx):
    cid = lax.axis_index("c")
    sid = lax.axis_index("s")
    is_last = sid == jnp.int32(_NS - 1)
    off = jnp.where(is_last, jnp.int32(_N - _TS), sid * jnp.int32(_TS))
    nvec = jnp.int32(_TS // _L)
    pltpu.sync_copy(x_hbm.at[pl.ds(off, _TS)], xv)

    big = jnp.full((_L,), 3.4e38, jnp.float32)

    def sig_body(i, carry):
        mn, mx = carry
        v = xv[pl.ds(i * jnp.int32(_L), _L)]
        s = 1.0 / (1.0 + jnp.exp(-v))
        sv[pl.ds(i * jnp.int32(_L), _L)] = s
        return jnp.minimum(mn, s), jnp.maximum(mx, s)

    mn, mx = lax.fori_loop(jnp.int32(0), nvec, sig_body, (big, -big))

    mnst[...] = mn
    mxst[...] = mx
    tb = sid * jnp.int32(_L)
    pltpu.sync_copy(mnst, shmn.at[pl.ds(tb, _L)])
    pltpu.sync_copy(mxst, shmx.at[pl.ds(tb, _L)])
    plsc.subcore_barrier()
    pltpu.sync_copy(shmn, mnv)
    pltpu.sync_copy(shmx, mxv)

    gmn = mnv[pl.ds(jnp.int32(0), _L)]
    gmx = mxv[pl.ds(jnp.int32(0), _L)]
    for t in range(1, _NS):
        gmn = jnp.minimum(gmn, mnv[pl.ds(jnp.int32(t * _L), _L)])
        gmx = jnp.maximum(gmx, mxv[pl.ds(jnp.int32(t * _L), _L)])
    mn_s = lax.reduce_min(gmn, (0,))
    mx_s = lax.reduce_max(gmx, (0,))
    mn_v = lax.broadcast_in_dim(mn_s, (_L,), ())
    mx_v = lax.broadcast_in_dim(mx_s, (_L,), ())
    scale_v = 1.0 / (mx_v - mn_v + 1e-8)

    def norm_body(i, carry):
        o = i * jnp.int32(_L)
        sv[pl.ds(o, _L)] = (sv[pl.ds(o, _L)] - mn_v) * scale_v
        return carry

    lax.fori_loop(jnp.int32(0), nvec, norm_body, 0)

    @pl.when(cid == jnp.int32(0))
    def _():
        pltpu.sync_copy(sv, t_hbm.at[pl.ds(off, _TS)])


def _compute_table(attn_log_logits):
    return _build_table_sc()(attn_log_logits.reshape(_N))


@functools.cache
def _build_edge_attn_sc():
    mesh = plsc.VectorSubcoreMesh(
        core_axis_name="c", subcore_axis_name="s", num_cores=_NC, num_subcores=_NS
    )
    return pl.kernel(
        _edge_attn_sc_body,
        out_type=jax.ShapeDtypeStruct((_E,), jnp.float32),
        mesh=mesh,
        scratch_types=[
            pltpu.VMEM((_N,), jnp.float32),
            pltpu.VMEM((2, _C), jnp.uint32),
            pltpu.VMEM((2, _C), jnp.uint32),
            pltpu.VMEM((_C,), jnp.float32),
            pltpu.VMEM((_C,), jnp.float32),
            pltpu.SemaphoreType.DMA,
            pltpu.SemaphoreType.DMA,
            pltpu.SemaphoreType.DMA,
            pltpu.SemaphoreType.DMA,
        ],
        compiler_params=pltpu.CompilerParams(needs_layout_passes=False),
    )


def _edge_attn_sc_body(
    table_hbm, idx_hbm, out_hbm,
    tbl, ib0, ib1, ob0, ob1, is0, is1, os0, os1,
):
    wid = lax.axis_index("s") * jnp.int32(_NC) + lax.axis_index("c")
    ibufs = (ib0, ib1)
    obufs = (ob0, ob1)
    isems = (is0, is1)
    osems = (os0, os1)

    def valid(k):
        return (wid + k * jnp.int32(_NW)) < jnp.int32(_TCH)

    def ebase(k):
        return (wid + k * jnp.int32(_NW)) * jnp.int32(_C)

    def in_copy(k, b):
        return pltpu.make_async_copy(
            idx_hbm.at[:, pl.ds(ebase(k), _C)], ibufs[b], isems[b]
        )

    def out_copy(k, b):
        return pltpu.make_async_copy(
            obufs[b], out_hbm.at[pl.ds(ebase(k), _C)], osems[b]
        )

    in_copy(jnp.int32(0), 0).start()
    pltpu.sync_copy(table_hbm, tbl)

    def compute(k, b):
        ib, ob = ibufs[b], obufs[b]

        @plsc.parallel_loop(jnp.int32(0), jnp.int32(_C), jnp.int32(2 * _L), unroll=2)
        def _(o):
            o2 = o + jnp.int32(_L)
            si = plsc.bitcast(ib[jnp.int32(0), pl.ds(o, _L)], jnp.int32)
            di = plsc.bitcast(ib[jnp.int32(1), pl.ds(o, _L)], jnp.int32)
            si2 = plsc.bitcast(ib[jnp.int32(0), pl.ds(o2, _L)], jnp.int32)
            di2 = plsc.bitcast(ib[jnp.int32(1), pl.ds(o2, _L)], jnp.int32)
            sv = plsc.load_gather(tbl, [si])
            dv = plsc.load_gather(tbl, [di])
            sv2 = plsc.load_gather(tbl, [si2])
            dv2 = plsc.load_gather(tbl, [di2])
            ob[pl.ds(o, _L)] = sv * dv
            ob[pl.ds(o2, _L)] = sv2 * dv2

        out_copy(k, b).start()

    def outer(c, carry):
        k0 = c * jnp.int32(2)
        k1 = k0 + jnp.int32(1)

        @pl.when(valid(k1))
        def _():
            in_copy(k1, 1).start()

        @pl.when((c > jnp.int32(0)) & valid(k0 - jnp.int32(2)))
        def _():
            out_copy(k0 - jnp.int32(2), 0).wait()

        @pl.when(valid(k0))
        def _():
            in_copy(k0, 0).wait()
            compute(k0, 0)

        @pl.when(valid(k0 + jnp.int32(2)))
        def _():
            in_copy(k0 + jnp.int32(2), 0).start()

        @pl.when((c > jnp.int32(0)) & valid(k1 - jnp.int32(2)))
        def _():
            out_copy(k1 - jnp.int32(2), 1).wait()

        @pl.when(valid(k1))
        def _():
            in_copy(k1, 1).wait()
            compute(k1, 1)

        return carry

    _P = (_KMAX + 1) // 2
    lax.fori_loop(jnp.int32(0), jnp.int32(_P), outer, 0)

    @pl.when(valid(jnp.int32(2 * _P - 2)))
    def _():
        out_copy(jnp.int32(2 * _P - 2), 0).wait()

    @pl.when(valid(jnp.int32(2 * _P - 1)))
    def _():
        out_copy(jnp.int32(2 * _P - 1), 1).wait()


@jax.jit
def kernel(attn_log_logits, edge_index):
    table = _compute_table(attn_log_logits)
    idx32 = edge_index.astype(jnp.uint32)
    out = _build_edge_attn_sc()(table, idx32)
    return out.reshape(_E, 1)

# --- scband reference (transcript-rebuilt; emitter-appended) ---
"""Pipeline reference for scband-lribern-53085795779159 (READ-ONLY COPY).

The authoritative reference and input builder live on the scoring server;
editing this copy changes nothing except your own understanding.
"""

import jax
jax.config.update("jax_enable_x64", True)
import jax.numpy as jnp
import numpy as np

N = 100000
E = 6400000
TEMPERATURE = 1.0


def setup_inputs(seed: int = 0) -> dict:
    key = jax.random.key(seed)
    k1, k2 = jax.random.split(key)
    attn_log_logits = jax.random.normal(k1, (N, 1), dtype=jnp.float32)
    edge_index = jax.random.randint(k2, (2, E), 0, N, dtype=jnp.int64)
    return {"attn_log_logits": attn_log_logits, "edge_index": edge_index}


def _sampling(attn_log_logits):
    # do_sampling=False path: plain sigmoid (deterministic, matches eval mode)
    return jax.nn.sigmoid(attn_log_logits)


def _min_max_normalize(attn):
    attn_min = jnp.min(attn)
    attn_max = jnp.max(attn)
    eps = 1e-08
    return (attn - attn_min) / (attn_max - attn_min + eps)


def _node_attn_to_edge_attn(src_attn, dst_attn, edge_index):
    # gather-dominated message-passing core of LRIBern
    src = jnp.take(src_attn, edge_index[0], axis=0)
    dst = jnp.take(dst_attn, edge_index[1], axis=0)
    return src * dst


def reference(attn_log_logits, edge_index):
    ver_attn = _sampling(attn_log_logits)
    ver_attn = _min_max_normalize(ver_attn)
    edge_attn = _node_attn_to_edge_attn(ver_attn, ver_attn, edge_index)
    return edge_attn

if __name__ == "__main__":
    import jax
    _d = setup_inputs()
    print(jax.jit(kernel)(*tuple(_d.values())))

</pallas_src>

<mosaic_0001>
#map = affine_map<(d0, d1) -> (0)>
module attributes {stable_mosaic.version = 14 : i64} {
  func.func @_table_sc_body(%arg0: i32, %arg1: i32, %arg2: memref<100000xf32, #tpu.memory_space<hbm>>, %arg3: memref<100000xf32, #tpu.memory_space<hbm>>, %arg4: memref<6256xf32, #tpu.memory_space<vmem>>, %arg5: memref<6256xf32, #tpu.memory_space<vmem>>, %arg6: memref<16xf32, #tpu.memory_space<vmem>>, %arg7: memref<16xf32, #tpu.memory_space<vmem>>, %arg8: memref<256xf32, #tpu.memory_space<vmem>>, %arg9: memref<256xf32, #tpu.memory_space<vmem>>, %arg10: memref<256xf32, #tpu.memory_space<vmem_shared>>, %arg11: memref<256xf32, #tpu.memory_space<vmem_shared>>) attributes {dimension_semantics = [#tpu.dimension_semantics<core_parallel>, #tpu.dimension_semantics<subcore_parallel>], iteration_bounds = array<i64: 2, 16>, scalar_prefetch = 0 : i64, scratch_operands = 8 : i64, tpu.core_type = #tpu.core_type<sc_vector_subcore>, window_params = [{transform_indices = #map}, {transform_indices = #map}]} {
    %eq3A = arith.constant 15 : i32
    %eq3A_0 = arith.cmpi eq, %arg1, %eq3A : i32
    %mul3A = arith.constant 6256 : i32
    %mul3A_1 = arith.muli %arg1, %mul3A : i32
    %jit3A = arith.constant 93744 : i32
    %select_n3A = arith.select %eq3A_0, %jit3A, %mul3A_1 : i32
    "tpu.region"() ({
      %run_scoped3A = tpu.sem_alloc : memref<!tpu.dma_semaphore, #tpu.memory_space<semaphore_mem>>
      %dma_start3A = tpu.memref_slice %arg2[%select_n3A] : memref<100000xf32, #tpu.memory_space<hbm>> -> memref<6256xf32, #tpu.memory_space<hbm>>
      %dma_start3A_170 = tpu.memref_slice %arg2[%select_n3A] : memref<100000xf32, #tpu.memory_space<hbm>> -> memref<6256xf32, #tpu.memory_space<hbm>>
      tpu.enqueue_dma source(%dma_start3A_170 : memref<6256xf32, #tpu.memory_space<hbm>>) target(%arg4 : memref<6256xf32, #tpu.memory_space<vmem>>) target_semaphore(%run_scoped3A : memref<!tpu.dma_semaphore, #tpu.memory_space<semaphore_mem>>)
      %dma_wait3A = tpu.memref_slice %arg2[%select_n3A] : memref<100000xf32, #tpu.memory_space<hbm>> -> memref<6256xf32, #tpu.memory_space<hbm>>
      %dma_wait3A_171 = tpu.memref_slice %arg2[%select_n3A] : memref<100000xf32, #tpu.memory_space<hbm>> -> memref<6256xf32, #tpu.memory_space<hbm>>
      tpu.wait_dma2 semaphore(%run_scoped3A : memref<!tpu.dma_semaphore, #tpu.memory_space<semaphore_mem>>) src(%dma_wait3A_171 : memref<6256xf32, #tpu.memory_space<hbm>>) dst(%arg4 : memref<6256xf32, #tpu.memory_space<vmem>>)
      tpu.yield
    }) : () -> ()
    %broadcast_in_dim3A = arith.constant 3.400000e+38 : f32
    %broadcast_in_dim3A_2 = vector.broadcast %broadcast_in_dim3A : f32 to vector<16xf32>
    %neg3A = arith.constant 0.000000e+00 : f32
    %neg3A_3 = vector.broadcast %neg3A : f32 to vector<16xf32>
    %neg3A_4 = arith.subf %neg3A_3, %broadcast_in_dim3A_2 : vector<16xf32>
    %while3A = arith.constant 0 : i32
    %while3A_5 = arith.constant 391 : i32
    %while3A_6 = arith.subi %while3A_5, %while3A : i32
    %while3A_7 = arith.addi %while3A, %while3A_6 : i32
    %while3A_8 = arith.constant 1 : i32
    %while3A_9 = arith.divsi %while3A_6, %while3A_8 : i32
    %while3A_10 = arith.muli %while3A_9, %while3A_8 : i32
    %while3A_11 = arith.addi %while3A, %while3A_10 : i32
    %while3A_12 = arith.constant 1 : i32
    %while3A_13:2 = scf.for %while3A_170 = %while3A to %while3A_11 step %while3A_12 iter_args(%while3A_171 = %broadcast_in_dim3A_2, %while3A_172 = %neg3A_4) -> (vector<16xf32>, vector<16xf32>)  : i32 {
      %mul3A_173 = arith.constant 16 : i32
      %mul3A_174 = arith.muli %while3A_170, %mul3A_173 : i32
      %get3A_175 = arith.index_cast %mul3A_174 : i32 to index
      %get3A_176 = tpu.vector_load %arg4[%get3A_175] {strides = array<i32>} : memref<6256xf32, #tpu.memory_space<vmem>>, vector<16xf32>,
      %neg3A_177 = arith.constant 0.000000e+00 : f32
      %neg3A_178 = vector.broadcast %neg3A_177 : f32 to vector<16xf32>
      %neg3A_179 = arith.subf %neg3A_178, %get3A_176 : vector<16xf32>
      %exp3A = math.exp %neg3A_179 : vector<16xf32>
      %add3A_180 = arith.constant 1.000000e+00 : f32
      %add3A_181 = vector.broadcast %add3A_180 : f32 to vector<16xf32>
      %add3A_182 = arith.addf %add3A_181, %exp3A : vector<16xf32>
      %div3A_183 = arith.constant 1.000000e+00 : f32
      %div3A_184 = vector.broadcast %div3A_183 : f32 to vector<16xf32>
      %div3A_185 = arith.divf %div3A_184, %add3A_182 : vector<16xf32>
      %mul3A_186 = arith.constant 16 : i32
      %mul3A_187 = arith.muli %while3A_170, %mul3A_186 : i32
      %swap3A_188 = arith.index_cast %mul3A_187 : i32 to index
      %swap3A_189 = tpu.vector_load %arg5[%swap3A_188] {strides = array<i32>} : memref<6256xf32, #tpu.memory_space<vmem>>, vector<16xf32>,
      tpu.vector_store %arg5[%swap3A_188], %div3A_185 {strides = array<i32>} : memref<6256xf32, #tpu.memory_space<vmem>>, vector<16xf32>,
      %min3A_190 = arith.minimumf %while3A_171, %div3A_185 : vector<16xf32>
      %max3A_191 = arith.maximumf %while3A_172, %div3A_185 : vector<16xf32>
      scf.yield %min3A_190, %max3A_191 : vector<16xf32>, vector<16xf32>
    }
    %while3A_14 = arith.constant 1 : i32
    %while3A_15:2 = scf.for %while3A_170 = %while3A_11 to %while3A_7 step %while3A_14 iter_args(%while3A_171 = %while3A_13#0, %while3A_172 = %while3A_13#1) -> (vector<16xf32>, vector<16xf32>)  : i32 {
      %mul3A_173 = arith.constant 16 : i32
      %mul3A_174 = arith.muli %while3A_170, %mul3A_173 : i32
      %get3A_175 = arith.index_cast %mul3A_174 : i32 to index
      %get3A_176 = tpu.vector_load %arg4[%get3A_175] {strides = array<i32>} : memref<6256xf32, #tpu.memory_space<vmem>>, vector<16xf32>,
      %neg3A_177 = arith.constant 0.000000e+00 : f32
      %neg3A_178 = vector.broadcast %neg3A_177 : f32 to vector<16xf32>
      %neg3A_179 = arith.subf %neg3A_178, %get3A_176 : vector<16xf32>
      %exp3A = math.exp %neg3A_179 : vector<16xf32>
      %add3A_180 = arith.constant 1.000000e+00 : f32
      %add3A_181 = vector.broadcast %add3A_180 : f32 to vector<16xf32>
      %add3A_182 = arith.addf %add3A_181, %exp3A : vector<16xf32>
      %div3A_183 = arith.constant 1.000000e+00 : f32
      %div3A_184 = vector.broadcast %div3A_183 : f32 to vector<16xf32>
      %div3A_185 = arith.divf %div3A_184, %add3A_182 : vector<16xf32>
      %mul3A_186 = arith.constant 16 : i32
      %mul3A_187 = arith.muli %while3A_170, %mul3A_186 : i32
      %swap3A_188 = arith.index_cast %mul3A_187 : i32 to index
      %swap3A_189 = tpu.vector_load %arg5[%swap3A_188] {strides = array<i32>} : memref<6256xf32, #tpu.memory_space<vmem>>, vector<16xf32>,
      tpu.vector_store %arg5[%swap3A_188], %div3A_185 {strides = array<i32>} : memref<6256xf32, #tpu.memory_space<vmem>>, vector<16xf32>,
      %min3A_190 = arith.minimumf %while3A_171, %div3A_185 : vector<16xf32>
      %max3A_191 = arith.maximumf %while3A_172, %div3A_185 : vector<16xf32>
      scf.yield %min3A_190, %max3A_191 : vector<16xf32>, vector<16xf32>
    }
    %swap3A = arith.constant 0 : index
    %swap3A_16 = tpu.vector_load %arg6[%swap3A] {strides = array<i32>} : memref<16xf32, #tpu.memory_space<vmem>>, vector<16xf32>,
    tpu.vector_store %arg6[%swap3A], %while3A_15#0 {strides = array<i32>} : memref<16xf32, #tpu.memory_space<vmem>>, vector<16xf32>,
    %swap3A_17 = arith.constant 0 : index
    %swap3A_18 = tpu.vector_load %arg7[%swap3A_17] {strides = array<i32>} : memref<16xf32, #tpu.memory_space<vmem>>, vector<16xf32>,
    tpu.vector_store %arg7[%swap3A_17], %while3A_15#1 {strides = array<i32>} : memref<16xf32, #tpu.memory_space<vmem>>, vector<16xf32>,
    %mul3A_19 = arith.constant 16 : i32
    %mul3A_20 = arith.muli %arg1, %mul3A_19 : i32
    "tpu.region"() ({
      %run_scoped3A = tpu.sem_alloc : memref<!tpu.dma_semaphore, #tpu.memory_space<semaphore_mem>>
      %dma_start3A = tpu.memref_slice %arg10[%mul3A_20] : memref<256xf32, #tpu.memory_space<vmem_shared>> -> memref<16xf32, #tpu.memory_space<vmem_shared>>
      %dma_start3A_170 = tpu.memref_slice %arg10[%mul3A_20] : memref<256xf32, #tpu.memory_space<vmem_shared>> -> memref<16xf32, #tpu.memory_space<vmem_shared>>
      tpu.enqueue_dma source(%arg6 : memref<16xf32, #tpu.memory_space<vmem>>) target(%dma_start3A_170 : memref<16xf32, #tpu.memory_space<vmem_shared>>) target_semaphore(%run_scoped3A : memref<!tpu.dma_semaphore, #tpu.memory_space<semaphore_mem>>)
      %dma_wait3A = tpu.memref_slice %arg10[%mul3A_20] : memref<256xf32, #tpu.memory_space<vmem_shared>> -> memref<16xf32, #tpu.memory_space<vmem_shared>>
      %dma_wait3A_171 = tpu.memref_slice %arg10[%mul3A_20] : memref<256xf32, #tpu.memory_space<vmem_shared>> -> memref<16xf32, #tpu.memory_space<vmem_shared>>
      tpu.wait_dma2 semaphore(%run_scoped3A : memref<!tpu.dma_semaphore, #tpu.memory_space<semaphore_mem>>) src(%arg6 : memref<16xf32, #tpu.memory_space<vmem>>) dst(%dma_wait3A_171 : memref<16xf32, #tpu.memory_space<vmem_shared>>)
      tpu.yield
    }) : () -> ()
    "tpu.region"() ({
      %run_scoped3A = tpu.sem_alloc : memref<!tpu.dma_semaphore, #tpu.memory_space<semaphore_mem>>
      %dma_start3A = tpu.memref_slice %arg11[%mul3A_20] : memref<256xf32, #tpu.memory_space<vmem_shared>> -> memref<16xf32, #tpu.memory_space<vmem_shared>>
      %dma_start3A_170 = tpu.memref_slice %arg11[%mul3A_20] : memref<256xf32, #tpu.memory_space<vmem_shared>> -> memref<16xf32, #tpu.memory_space<vmem_shared>>
      tpu.enqueue_dma source(%arg7 : memref<16xf32, #tpu.memory_space<vmem>>) target(%dma_start3A_170 : memref<16xf32, #tpu.memory_space<vmem_shared>>) target_semaphore(%run_scoped3A : memref<!tpu.dma_semaphore, #tpu.memory_space<semaphore_mem>>)
      %dma_wait3A = tpu.memref_slice %arg11[%mul3A_20] : memref<256xf32, #tpu.memory_space<vmem_shared>> -> memref<16xf32, #tpu.memory_space<vmem_shared>>
      %dma_wait3A_171 = tpu.memref_slice %arg11[%mul3A_20] : memref<256xf32, #tpu.memory_space<vmem_shared>> -> memref<16xf32, #tpu.memory_space<vmem_shared>>
      tpu.wait_dma2 semaphore(%run_scoped3A : memref<!tpu.dma_semaphore, #tpu.memory_space<semaphore_mem>>) src(%arg7 : memref<16xf32, #tpu.memory_space<vmem>>) dst(%dma_wait3A_171 : memref<16xf32, #tpu.memory_space<vmem_shared>>)
      tpu.yield
    }) : () -> ()
    %barrier3A = arith.constant 0 : index
    tpu.barrier barrier_id(%barrier3A)
    "tpu.region"() ({
      %run_scoped3A = tpu.sem_alloc : memref<!tpu.dma_semaphore, #tpu.memory_space<semaphore_mem>>
      tpu.enqueue_dma source(%arg10 : memref<256xf32, #tpu.memory_space<vmem_shared>>) target(%arg8 : memref<256xf32, #tpu.memory_space<vmem>>) target_semaphore(%run_scoped3A : memref<!tpu.dma_semaphore, #tpu.memory_space<semaphore_mem>>)
      tpu.wait_dma2 semaphore(%run_scoped3A : memref<!tpu.dma_semaphore, #tpu.memory_space<semaphore_mem>>) src(%arg10 : memref<256xf32, #tpu.memory_space<vmem_shared>>) dst(%arg8 : memref<256xf32, #tpu.memory_space<vmem>>)
      tpu.yield
    }) : () -> ()
    "tpu.region"() ({
      %run_scoped3A = tpu.sem_alloc : memref<!tpu.dma_semaphore, #tpu.memory_space<semaphore_mem>>
      tpu.enqueue_dma source(%arg11 : memref<256xf32, #tpu.memory_space<vmem_shared>>) target(%arg9 : memref<256xf32, #tpu.memory_space<vmem>>) target_semaphore(%run_scoped3A : memref<!tpu.dma_semaphore, #tpu.memory_space<semaphore_mem>>)
      tpu.wait_dma2 semaphore(%run_scoped3A : memref<!tpu.dma_semaphore, #tpu.memory_space<semaphore_mem>>) src(%arg11 : memref<256xf32, #tpu.memory_space<vmem_shared>>) dst(%arg9 : memref<256xf32, #tpu.memory_space<vmem>>)
      tpu.yield
    }) : () -> ()
    %get3A = arith.constant 0 : i32
    %get3A_21 = arith.index_cast %get3A : i32 to index
    %get3A_22 = tpu.vector_load %arg8[%get3A_21] {strides = array<i32>} : memref<256xf32, #tpu.memory_space<vmem>>, vector<16xf32>,
    %get3A_23 = arith.constant 0 : i32
    %get3A_24 = arith.index_cast %get3A_23 : i32 to index
    %get3A_25 = tpu.vector_load %arg9[%get3A_24] {strides = array<i32>} : memref<256xf32, #tpu.memory_space<vmem>>, vector<16xf32>,
    %get3A_26 = arith.constant 16 : i32
    %get3A_27 = arith.index_cast %get3A_26 : i32 to index
    %get3A_28 = tpu.vector_load %arg8[%get3A_27] {strides = array<i32>} : memref<256xf32, #tpu.memory_space<vmem>>, vector<16xf32>,
    %min3A = arith.minimumf %get3A_22, %get3A_28 : vector<16xf32>
    %get3A_29 = arith.constant 16 : i32
    %get3A_30 = arith.index_cast %get3A_29 : i32 to index
    %get3A_31 = tpu.vector_load %arg9[%get3A_30] {strides = array<i32>} : memref<256xf32, #tpu.memory_space<vmem>>, vector<16xf32>,
    %max3A = arith.maximumf %get3A_25, %get3A_31 : vector<16xf32>
    %get3A_32 = arith.constant 32 : i32
    %get3A_33 = arith.index_cast %get3A_32 : i32 to index
    %get3A_34 = tpu.vector_load %arg8[%get3A_33] {strides = array<i32>} : memref<256xf32, #tpu.memory_space<vmem>>, vector<16xf32>,
    %min3A_35 = arith.minimumf %min3A, %get3A_34 : vector<16xf32>
    %get3A_36 = arith.constant 32 : i32
    %get3A_37 = arith.index_cast %get3A_36 : i32 to index
    %get3A_38 = tpu.vector_load %arg9[%get3A_37] {strides = array<i32>} : memref<256xf32, #tpu.memory_space<vmem>>, vector<16xf32>,
    %max3A_39 = arith.maximumf %max3A, %get3A_38 : vector<16xf32>
    %get3A_40 = arith.constant 48 : i32
    %get3A_41 = arith.index_cast %get3A_40 : i32 to index
    %get3A_42 = tpu.vector_load %arg8[%get3A_41] {strides = array<i32>} : memref<256xf32, #tpu.memory_space<vmem>>, vector<16xf32>,
    %min3A_43 = arith.minimumf %min3A_35, %get3A_42 : vector<16xf32>
    %get3A_44 = arith.constant 48 : i32
    %get3A_45 = arith.index_cast %get3A_44 : i32 to index
    %get3A_46 = tpu.vector_load %arg9[%get3A_45] {strides = array<i32>} : memref<256xf32, #tpu.memory_space<vmem>>, vector<16xf32>,
    %max3A_47 = arith.maximumf %max3A_39, %get3A_46 : vector<16xf32>
    %get3A_48 = arith.constant 64 : i32
    %get3A_49 = arith.index_cast %get3A_48 : i32 to index
    %get3A_50 = tpu.vector_load %arg8[%get3A_49] {strides = array<i32>} : memref<256xf32, #tpu.memory_space<vmem>>, vector<16xf32>,
    %min3A_51 = arith.minimumf %min3A_43, %get3A_50 : vector<16xf32>
    %get3A_52 = arith.constant 64 : i32
    %get3A_53 = arith.index_cast %get3A_52 : i32 to index
    %get3A_54 = tpu.vector_load %arg9[%get3A_53] {strides = array<i32>} : memref<256xf32, #tpu.memory_space<vmem>>, vector<16xf32>,
    %max3A_55 = arith.maximumf %max3A_47, %get3A_54 : vector<16xf32>
    %get3A_56 = arith.constant 80 : i32
    %get3A_57 = arith.index_cast %get3A_56 : i32 to index
    %get3A_58 = tpu.vector_load %arg8[%get3A_57] {strides = array<i32>} : memref<256xf32, #tpu.memory_space<vmem>>, vector<16xf32>,
    %min3A_59 = arith.minimumf %min3A_51, %get3A_58 : vector<16xf32>
    %get3A_60 = arith.constant 80 : i32
    %get3A_61 = arith.index_cast %get3A_60 : i32 to index
    %get3A_62 = tpu.vector_load %arg9[%get3A_61] {strides = array<i32>} : memref<256xf32, #tpu.memory_space<vmem>>, vector<16xf32>,
    %max3A_63 = arith.maximumf %max3A_55, %get3A_62 : vector<16xf32>
    %get3A_64 = arith.constant 96 : i32
    %get3A_65 = arith.index_cast %get3A_64 : i32 to index
    %get3A_66 = tpu.vector_load %arg8[%get3A_65] {strides = array<i32>} : memref<256xf32, #tpu.memory_space<vmem>>, vector<16xf32>,
    %min3A_67 = arith.minimumf %min3A_59, %get3A_66 : vector<16xf32>
    %get3A_68 = arith.constant 96 : i32
    %get3A_69 = arith.index_cast %get3A_68 : i32 to index
    %get3A_70 = tpu.vector_load %arg9[%get3A_69] {strides = array<i32>} : memref<256xf32, #tpu.memory_space<vmem>>, vector<16xf32>,
    %max3A_71 = arith.maximumf %max3A_63, %get3A_70 : vector<16xf32>
    %get3A_72 = arith.constant 112 : i32
    %get3A_73 = arith.index_cast %get3A_72 : i32 to index
    %get3A_74 = tpu.vector_load %arg8[%get3A_73] {strides = array<i32>} : memref<256xf32, #tpu.memory_space<vmem>>, vector<16xf32>,
    %min3A_75 = arith.minimumf %min3A_67, %get3A_74 : vector<16xf32>
    %get3A_76 = arith.constant 112 : i32
    %get3A_77 = arith.index_cast %get3A_76 : i32 to index
    %get3A_78 = tpu.vector_load %arg9[%get3A_77] {strides = array<i32>} : memref<256xf32, #tpu.memory_space<vmem>>, vector<16xf32>,
    %max3A_79 = arith.maximumf %max3A_71, %get3A_78 : vector<16xf32>
    %get3A_80 = arith.constant 128 : i32
    %get3A_81 = arith.index_cast %get3A_80 : i32 to index
    %get3A_82 = tpu.vector_load %arg8[%get3A_81] {strides = array<i32>} : memref<256xf32, #tpu.memory_space<vmem>>, vector<16xf32>,
    %min3A_83 = arith.minimumf %min3A_75, %get3A_82 : vector<16xf32>
    %get3A_84 = arith.constant 128 : i32
    %get3A_85 = arith.index_cast %get3A_84 : i32 to index
    %get3A_86 = tpu.vector_load %arg9[%get3A_85] {strides = array<i32>} : memref<256xf32, #tpu.memory_space<vmem>>, vector<16xf32>,
    %max3A_87 = arith.maximumf %max3A_79, %get3A_86 : vector<16xf32>
    %get3A_88 = arith.constant 144 : i32
    %get3A_89 = arith.index_cast %get3A_88 : i32 to index
    %get3A_90 = tpu.vector_load %arg8[%get3A_89] {strides = array<i32>} : memref<256xf32, #tpu.memory_space<vmem>>, vector<16xf32>,
    %min3A_91 = arith.minimumf %min3A_83, %get3A_90 : vector<16xf32>
    %get3A_92 = arith.constant 144 : i32
    %get3A_93 = arith.index_cast %get3A_92 : i32 to index
    %get3A_94 = tpu.vector_load %arg9[%get3A_93] {strides = array<i32>} : memref<256xf32, #tpu.memory_space<vmem>>, vector<16xf32>,
    %max3A_95 = arith.maximumf %max3A_87, %get3A_94 : vector<16xf32>
    %get3A_96 = arith.constant 160 : i32
    %get3A_97 = arith.index_cast %get3A_96 : i32 to index
    %get3A_98 = tpu.vector_load %arg8[%get3A_97] {strides = array<i32>} : memref<256xf32, #tpu.memory_space<vmem>>, vector<16xf32>,
    %min3A_99 = arith.minimumf %min3A_91, %get3A_98 : vector<16xf32>
    %get3A_100 = arith.constant 160 : i32
    %get3A_101 = arith.index_cast %get3A_100 : i32 to index
    %get3A_102 = tpu.vector_load %arg9[%get3A_101] {strides = array<i32>} : memref<256xf32, #tpu.memory_space<vmem>>, vector<16xf32>,
    %max3A_103 = arith.maximumf %max3A_95, %get3A_102 : vector<16xf32>
    %get3A_104 = arith.constant 176 : i32
    %get3A_105 = arith.index_cast %get3A_104 : i32 to index
    %get3A_106 = tpu.vector_load %arg8[%get3A_105] {strides = array<i32>} : memref<256xf32, #tpu.memory_space<vmem>>, vector<16xf32>,
    %min3A_107 = arith.minimumf %min3A_99, %get3A_106 : vector<16xf32>
    %get3A_108 = arith.constant 176 : i32
    %get3A_109 = arith.index_cast %get3A_108 : i32 to index
    %get3A_110 = tpu.vector_load %arg9[%get3A_109] {strides = array<i32>} : memref<256xf32, #tpu.memory_space<vmem>>, vector<16xf32>,
    %max3A_111 = arith.maximumf %max3A_103, %get3A_110 : vector<16xf32>
    %get3A_112 = arith.constant 192 : i32
    %get3A_113 = arith.index_cast %get3A_112 : i32 to index
    %get3A_114 = tpu.vector_load %arg8[%get3A_113] {strides = array<i32>} : memref<256xf32, #tpu.memory_space<vmem>>, vector<16xf32>,
    %min3A_115 = arith.minimumf %min3A_107, %get3A_114 : vector<16xf32>
    %get3A_116 = arith.constant 192 : i32
    %get3A_117 = arith.index_cast %get3A_116 : i32 to index
    %get3A_118 = tpu.vector_load %arg9[%get3A_117] {strides = array<i32>} : memref<256xf32, #tpu.memory_space<vmem>>, vector<16xf32>,
    %max3A_119 = arith.maximumf %max3A_111, %get3A_118 : vector<16xf32>
    %get3A_120 = arith.constant 208 : i32
    %get3A_121 = arith.index_cast %get3A_120 : i32 to index
    %get3A_122 = tpu.vector_load %arg8[%get3A_121] {strides = array<i32>} : memref<256xf32, #tpu.memory_space<vmem>>, vector<16xf32>,
    %min3A_123 = arith.minimumf %min3A_115, %get3A_122 : vector<16xf32>
    %get3A_124 = arith.constant 208 : i32
    %get3A_125 = arith.index_cast %get3A_124 : i32 to index
    %get3A_126 = tpu.vector_load %arg9[%get3A_125] {strides = array<i32>} : memref<256xf32, #tpu.memory_space<vmem>>, vector<16xf32>,
    %max3A_127 = arith.maximumf %max3A_119, %get3A_126 : vector<16xf32>
    %get3A_128 = arith.constant 224 : i32
    %get3A_129 = arith.index_cast %get3A_128 : i32 to index
    %get3A_130 = tpu.vector_load %arg8[%get3A_129] {strides = array<i32>} : memref<256xf32, #tpu.memory_space<vmem>>, vector<16xf32>,
    %min3A_131 = arith.minimumf %min3A_123, %get3A_130 : vector<16xf32>
    %get3A_132 = arith.constant 224 : i32
    %get3A_133 = arith.index_cast %get3A_132 : i32 to index
    %get3A_134 = tpu.vector_load %arg9[%get3A_133] {strides = array<i32>} : memref<256xf32, #tpu.memory_space<vmem>>, vector<16xf32>,
    %max3A_135 = arith.maximumf %max3A_127, %get3A_134 : vector<16xf32>
    %get3A_136 = arith.constant 240 : i32
    %get3A_137 = arith.index_cast %get3A_136 : i32 to index
    %get3A_138 = tpu.vector_load %arg8[%get3A_137] {strides = array<i32>} : memref<256xf32, #tpu.memory_space<vmem>>, vector<16xf32>,
    %min3A_139 = arith.minimumf %min3A_131, %get3A_138 : vector<16xf32>
    %get3A_140 = arith.constant 240 : i32
    %get3A_141 = arith.index_cast %get3A_140 : i32 to index
    %get3A_142 = tpu.vector_load %arg9[%get3A_141] {strides = array<i32>} : memref<256xf32, #tpu.memory_space<vmem>>, vector<16xf32>,
    %max3A_143 = arith.maximumf %max3A_135, %get3A_142 : vector<16xf32>
    %reduce_min3A = arith.constant true
    %reduce_min3A_144 = vector.broadcast %reduce_min3A : i1 to vector<16xi1>
    %reduce_min3A_145 = tpu.scan <min>, %min3A_139 masked %reduce_min3A_144 : vector<16xf32>, vector<16xi1> -> vector<16xf32>
    %reduce_min3A_146 = vector.extract %reduce_min3A_145[15] : f32 from vector<16xf32>
    %reduce_max3A = arith.constant true
    %reduce_max3A_147 = vector.broadcast %reduce_max3A : i1 to vector<16xi1>
    %reduce_max3A_148 = tpu.scan <max>, %max3A_143 masked %reduce_max3A_147 : vector<16xf32>, vector<16xi1> -> vector<16xf32>
    %reduce_max3A_149 = vector.extract %reduce_max3A_148[15] : f32 from vector<16xf32>
    %broadcast_in_dim3A_150 = vector.broadcast %reduce_min3A_146 : f32 to vector<16xf32>
    %broadcast_in_dim3A_151 = vector.broadcast %reduce_max3A_149 : f32 to vector<16xf32>
    %sub3A = arith.subf %broadcast_in_dim3A_151, %broadcast_in_dim3A_150 : vector<16xf32>
    %add3A = arith.constant 9.99999993E-9 : f32
    %add3A_152 = vector.broadcast %add3A : f32 to vector<16xf32>
    %add3A_153 = arith.addf %sub3A, %add3A_152 : vector<16xf32>
    %div3A = arith.constant 1.000000e+00 : f32
    %div3A_154 = vector.broadcast %div3A : f32 to vector<16xf32>
    %div3A_155 = arith.divf %div3A_154, %add3A_153 : vector<16xf32>
    %while3A_156 = arith.constant 0 : i64
    %while3A_157 = arith.constant 0 : i32
    %while3A_158 = arith.constant 391 : i32
    %while3A_159 = arith.subi %while3A_158, %while3A_157 : i32
    %while3A_160 = arith.addi %while3A_157, %while3A_159 : i32
    %while3A_161 = arith.constant 1 : i32
    %while3A_162 = arith.divsi %while3A_159, %while3A_161 : i32
    %while3A_163 = arith.muli %while3A_162, %while3A_161 : i32
    %while3A_164 = arith.addi %while3A_157, %while3A_163 : i32
    %while3A_165 = arith.constant 1 : i32
    scf.for %while3A_170 = %while3A_157 to %while3A_164 step %while3A_165  : i32 {
      %mul3A_171 = arith.constant 16 : i32
      %mul3A_172 = arith.muli %while3A_170, %mul3A_171 : i32
      %get3A_173 = arith.index_cast %mul3A_172 : i32 to index
      %get3A_174 = tpu.vector_load %arg5[%get3A_173] {strides = array<i32>} : memref<6256xf32, #tpu.memory_space<vmem>>, vector<16xf32>,
      %sub3A_175 = arith.subf %get3A_174, %broadcast_in_dim3A_150 : vector<16xf32>
      %mul3A_176 = arith.mulf %sub3A_175, %div3A_155 : vector<16xf32>
      %swap3A_177 = arith.index_cast %mul3A_172 : i32 to index
      %swap3A_178 = tpu.vector_load %arg5[%swap3A_177] {strides = array<i32>} : memref<6256xf32, #tpu.memory_space<vmem>>, vector<16xf32>,
      tpu.vector_store %arg5[%swap3A_177], %mul3A_176 {strides = array<i32>} : memref<6256xf32, #tpu.memory_space<vmem>>, vector<16xf32>,
    }
    %while3A_166 = arith.constant 1 : i32
    scf.for %while3A_170 = %while3A_164 to %while3A_160 step %while3A_166  : i32 {
      %mul3A_171 = arith.constant 16 : i32
      %mul3A_172 = arith.muli %while3A_170, %mul3A_171 : i32
      %get3A_173 = arith.index_cast %mul3A_172 : i32 to index
      %get3A_174 = tpu.vector_load %arg5[%get3A_173] {strides = array<i32>} : memref<6256xf32, #tpu.memory_space<vmem>>, vector<16xf32>,
      %sub3A_175 = arith.subf %get3A_174, %broadcast_in_dim3A_150 : vector<16xf32>
      %mul3A_176 = arith.mulf %sub3A_175, %div3A_155 : vector<16xf32>
      %swap3A_177 = arith.index_cast %mul3A_172 : i32 to index
      %swap3A_178 = tpu.vector_load %arg5[%swap3A_177] {strides = array<i32>} : memref<6256xf32, #tpu.memory_space<vmem>>, vector<16xf32>,
      tpu.vector_store %arg5[%swap3A_177], %mul3A_176 {strides = array<i32>} : memref<6256xf32, #tpu.memory_space<vmem>>, vector<16xf32>,
    }
    %eq3A_167 = arith.constant 0 : i32
    %eq3A_168 = arith.cmpi eq, %arg0, %eq3A_167 : i32
    %convert_element_type3A = arith.extui %eq3A_168 : i1 to i32
    %cond3A = arith.constant 0 : i32
    %cond3A_169 = arith.cmpi ne, %convert_element_type3A, %cond3A : i32
    scf.if %cond3A_169 {
      "tpu.region"() ({
        %run_scoped3A = tpu.sem_alloc : memref<!tpu.dma_semaphore, #tpu.memory_space<semaphore_mem>>
        %dma_start3A = tpu.memref_slice %arg3[%select_n3A] : memref<100000xf32, #tpu.memory_space<hbm>> -> memref<6256xf32, #tpu.memory_space<hbm>>
        %dma_start3A_170 = tpu.memref_slice %arg3[%select_n3A] : memref<100000xf32, #tpu.memory_space<hbm>> -> memref<6256xf32, #tpu.memory_space<hbm>>
        tpu.enqueue_dma source(%arg5 : memref<6256xf32, #tpu.memory_space<vmem>>) target(%dma_start3A_170 : memref<6256xf32, #tpu.memory_space<hbm>>) target_semaphore(%run_scoped3A : memref<!tpu.dma_semaphore, #tpu.memory_space<semaphore_mem>>)
        %dma_wait3A = tpu.memref_slice %arg3[%select_n3A] : memref<100000xf32, #tpu.memory_space<hbm>> -> memref<6256xf32, #tpu.memory_space<hbm>>
        %dma_wait3A_171 = tpu.memref_slice %arg3[%select_n3A] : memref<100000xf32, #tpu.memory_space<hbm>> -> memref<6256xf32, #tpu.memory_space<hbm>>
        tpu.wait_dma2 semaphore(%run_scoped3A : memref<!tpu.dma_semaphore, #tpu.memory_space<semaphore_mem>>) src(%arg5 : memref<6256xf32, #tpu.memory_space<vmem>>) dst(%dma_wait3A_171 : memref<6256xf32, #tpu.memory_space<hbm>>)
        tpu.yield
      }) : () -> ()
    } else {
    }
    return
  }
}

#map = affine_map<(d0, d1) -> (0)>
#map1 = affine_map<(d0, d1) -> (0, 0)>
module attributes {stable_mosaic.version = 14 : i64} {
  func.func @_edge_attn_sc_body(%arg0: i32, %arg1: i32, %arg2: memref<100000xf32, #tpu.memory_space<hbm>>, %arg3: memref<2x6400000xi32, #tpu.memory_space<hbm>>, %arg4: memref<6400000xf32, #tpu.memory_space<hbm>>, %arg5: memref<100000xf32, #tpu.memory_space<vmem>>, %arg6: memref<2x5120xi32, #tpu.memory_space<vmem>>, %arg7: memref<2x5120xi32, #tpu.memory_space<vmem>>, %arg8: memref<5120xf32, #tpu.memory_space<vmem>>, %arg9: memref<5120xf32, #tpu.memory_space<vmem>>, %arg10: memref<!tpu.dma_semaphore, #tpu.memory_space<semaphore_mem>>, %arg11: memref<!tpu.dma_semaphore, #tpu.memory_space<semaphore_mem>>, %arg12: memref<!tpu.dma_semaphore, #tpu.memory_space<semaphore_mem>>, %arg13: memref<!tpu.dma_semaphore, #tpu.memory_space<semaphore_mem>>) attributes {dimension_semantics = [#tpu.dimension_semantics<core_parallel>, #tpu.dimension_semantics<subcore_parallel>], iteration_bounds = array<i64: 2, 16>, scalar_prefetch = 0 : i64, scratch_operands = 9 : i64, tpu.core_type = #tpu.core_type<sc_vector_subcore>, window_params = [{transform_indices = #map}, {transform_indices = #map1}, {transform_indices = #map}]} {
    %mul3A = arith.constant 2 : i32
    %mul3A_0 = arith.muli %arg1, %mul3A : i32
    %add3A = arith.addi %mul3A_0, %arg0 : i32
    %mul3A_1 = arith.constant 0 : i32
    %mul3A_2 = arith.constant 32 : i32
    %mul3A_3 = arith.muli %mul3A_1, %mul3A_2 : i32
    %add3A_4 = arith.addi %add3A, %mul3A_3 : i32
    %mul3A_5 = arith.constant 5120 : i32
    %mul3A_6 = arith.muli %add3A_4, %mul3A_5 : i32
    %dma_start3A = arith.constant 0 : i32
    %dma_start3A_7 = tpu.memref_slice %arg3[%dma_start3A, %mul3A_6] : memref<2x6400000xi32, #tpu.memory_space<hbm>> -> memref<2x5120xi32, #tpu.memory_space<hbm>>
    %dma_start3A_8 = arith.constant 0 : i32
    %dma_start3A_9 = tpu.memref_slice %arg3[%dma_start3A_8, %mul3A_6] : memref<2x6400000xi32, #tpu.memory_space<hbm>> -> memref<2x5120xi32, #tpu.memory_space<hbm>>
    tpu.enqueue_dma source(%dma_start3A_9 : memref<2x5120xi32, #tpu.memory_space<hbm>>) target(%arg6 : memref<2x5120xi32, #tpu.memory_space<vmem>>) target_semaphore(%arg10 : memref<!tpu.dma_semaphore, #tpu.memory_space<semaphore_mem>>)
    "tpu.region"() ({
      %run_scoped3A = tpu.sem_alloc : memref<!tpu.dma_semaphore, #tpu.memory_space<semaphore_mem>>
      tpu.enqueue_dma source(%arg2 : memref<100000xf32, #tpu.memory_space<hbm>>) target(%arg5 : memref<100000xf32, #tpu.memory_space<vmem>>) target_semaphore(%run_scoped3A : memref<!tpu.dma_semaphore, #tpu.memory_space<semaphore_mem>>)
      tpu.wait_dma2 semaphore(%run_scoped3A : memref<!tpu.dma_semaphore, #tpu.memory_space<semaphore_mem>>) src(%arg2 : memref<100000xf32, #tpu.memory_space<hbm>>) dst(%arg5 : memref<100000xf32, #tpu.memory_space<vmem>>)
      tpu.yield
    }) : () -> ()
    %while3A = arith.constant 0 : i64
    %while3A_10 = arith.constant 0 : i32
    %while3A_11 = arith.constant 20 : i32
    %while3A_12 = arith.subi %while3A_11, %while3A_10 : i32
    %while3A_13 = arith.addi %while3A_10, %while3A_12 : i32
    %while3A_14 = arith.constant 1 : i32
    %while3A_15 = arith.divsi %while3A_12, %while3A_14 : i32
    %while3A_16 = arith.muli %while3A_15, %while3A_14 : i32
    %while3A_17 = arith.addi %while3A_10, %while3A_16 : i32
    %while3A_18 = arith.constant 1 : i32
    scf.for %while3A_35 = %while3A_10 to %while3A_17 step %while3A_18  : i32 {
      %mul3A_36 = arith.constant 2 : i32
      %mul3A_37 = arith.muli %while3A_35, %mul3A_36 : i32
      %add3A_38 = arith.constant 1 : i32
      %add3A_39 = arith.addi %mul3A_37, %add3A_38 : i32
      %mul3A_40 = arith.constant 32 : i32
      %mul3A_41 = arith.muli %add3A_39, %mul3A_40 : i32
      %add3A_42 = arith.addi %add3A, %mul3A_41 : i32
      %lt3A_43 = arith.constant 1250 : i32
      %lt3A_44 = arith.cmpi slt, %add3A_42, %lt3A_43 : i32
      %convert_element_type3A_45 = arith.extui %lt3A_44 : i1 to i32
      %cond3A_46 = arith.constant 0 : i32
      %cond3A_47 = arith.cmpi ne, %convert_element_type3A_45, %cond3A_46 : i32
      scf.if %cond3A_47 {
        %mul3A_97 = arith.constant 32 : i32
        %mul3A_98 = arith.muli %add3A_39, %mul3A_97 : i32
        %add3A_99 = arith.addi %add3A, %mul3A_98 : i32
        %mul3A_100 = arith.constant 5120 : i32
        %mul3A_101 = arith.muli %add3A_99, %mul3A_100 : i32
        %dma_start3A_102 = arith.constant 0 : i32
        %dma_start3A_103 = tpu.memref_slice %arg3[%dma_start3A_102, %mul3A_101] : memref<2x6400000xi32, #tpu.memory_space<hbm>> -> memref<2x5120xi32, #tpu.memory_space<hbm>>
        %dma_start3A_104 = arith.constant 0 : i32
        %dma_start3A_105 = tpu.memref_slice %arg3[%dma_start3A_104, %mul3A_101] : memref<2x6400000xi32, #tpu.memory_space<hbm>> -> memref<2x5120xi32, #tpu.memory_space<hbm>>
        tpu.enqueue_dma source(%dma_start3A_105 : memref<2x5120xi32, #tpu.memory_space<hbm>>) target(%arg7 : memref<2x5120xi32, #tpu.memory_space<vmem>>) target_semaphore(%arg11 : memref<!tpu.dma_semaphore, #tpu.memory_space<semaphore_mem>>)
      } else {
      }
      %gt3A = arith.constant 0 : i32
      %gt3A_48 = arith.cmpi sgt, %while3A_35, %gt3A : i32
      %sub3A = arith.constant 2 : i32
      %sub3A_49 = arith.subi %mul3A_37, %sub3A : i32
      %mul3A_50 = arith.constant 32 : i32
      %mul3A_51 = arith.muli %sub3A_49, %mul3A_50 : i32
      %add3A_52 = arith.addi %add3A, %mul3A_51 : i32
      %lt3A_53 = arith.constant 1250 : i32
      %lt3A_54 = arith.cmpi slt, %add3A_52, %lt3A_53 : i32
      %and3A = arith.andi %gt3A_48, %lt3A_54 : i1
      %convert_element_type3A_55 = arith.extui %and3A : i1 to i32
      %cond3A_56 = arith.constant 0 : i32
      %cond3A_57 = arith.cmpi ne, %convert_element_type3A_55, %cond3A_56 : i32
      scf.if %cond3A_57 {
        %sub3A_97 = arith.constant 2 : i32
        %sub3A_98 = arith.subi %mul3A_37, %sub3A_97 : i32
        %mul3A_99 = arith.constant 32 : i32
        %mul3A_100 = arith.muli %sub3A_98, %mul3A_99 : i32
        %add3A_101 = arith.addi %add3A, %mul3A_100 : i32
        %mul3A_102 = arith.constant 5120 : i32
        %mul3A_103 = arith.muli %add3A_101, %mul3A_102 : i32
        %dma_wait3A = tpu.memref_slice %arg4[%mul3A_103] : memref<6400000xf32, #tpu.memory_space<hbm>> -> memref<5120xf32, #tpu.memory_space<hbm>>
        %dma_wait3A_104 = tpu.memref_slice %arg4[%mul3A_103] : memref<6400000xf32, #tpu.memory_space<hbm>> -> memref<5120xf32, #tpu.memory_space<hbm>>
        tpu.wait_dma2 semaphore(%arg12 : memref<!tpu.dma_semaphore, #tpu.memory_space<semaphore_mem>>) src(%arg8 : memref<5120xf32, #tpu.memory_space<vmem>>) dst(%dma_wait3A_104 : memref<5120xf32, #tpu.memory_space<hbm>>)
      } else {
      }
      %mul3A_58 = arith.constant 32 : i32
      %mul3A_59 = arith.muli %mul3A_37, %mul3A_58 : i32
      %add3A_60 = arith.addi %add3A, %mul3A_59 : i32
      %lt3A_61 = arith.constant 1250 : i32
      %lt3A_62 = arith.cmpi slt, %add3A_60, %lt3A_61 : i32
      %convert_element_type3A_63 = arith.extui %lt3A_62 : i1 to i32
      %cond3A_64 = arith.constant 0 : i32
      %cond3A_65 = arith.cmpi ne, %convert_element_type3A_63, %cond3A_64 : i32
      scf.if %cond3A_65 {
        %mul3A_97 = arith.constant 32 : i32
        %mul3A_98 = arith.muli %mul3A_37, %mul3A_97 : i32
        %add3A_99 = arith.addi %add3A, %mul3A_98 : i32
        %mul3A_100 = arith.constant 5120 : i32
        %mul3A_101 = arith.muli %add3A_99, %mul3A_100 : i32
        %dma_wait3A = arith.constant 0 : i32
        %dma_wait3A_102 = tpu.memref_slice %arg3[%dma_wait3A, %mul3A_101] : memref<2x6400000xi32, #tpu.memory_space<hbm>> -> memref<2x5120xi32, #tpu.memory_space<hbm>>
        %dma_wait3A_103 = arith.constant 0 : i32
        %dma_wait3A_104 = tpu.memref_slice %arg3[%dma_wait3A_103, %mul3A_101] : memref<2x6400000xi32, #tpu.memory_space<hbm>> -> memref<2x5120xi32, #tpu.memory_space<hbm>>
        tpu.wait_dma2 semaphore(%arg10 : memref<!tpu.dma_semaphore, #tpu.memory_space<semaphore_mem>>) src(%dma_wait3A_104 : memref<2x5120xi32, #tpu.memory_space<hbm>>) dst(%arg6 : memref<2x5120xi32, #tpu.memory_space<vmem>>)
        %parallel_loop3A = arith.constant 0 : i32
        %parallel_loop3A_105 = arith.constant 5120 : i32
        %parallel_loop3A_106 = arith.constant 32 : i32
        scf.for %parallel_loop3A_114 = %parallel_loop3A to %parallel_loop3A_105 step %parallel_loop3A_106  : i32 {
          %parallel_loop3A_115 = arith.constant 16 : i32
          %parallel_loop3A_116 = arith.addi %parallel_loop3A_114, %parallel_loop3A_115 : i32
          %parallel_loop3A_117 = arith.constant 0 : i32
          %parallel_loop3A_118 = arith.index_cast %parallel_loop3A_117 : i32 to index
          %parallel_loop3A_119 = arith.index_cast %parallel_loop3A_114 : i32 to index
          %parallel_loop3A_120 = tpu.vector_load %arg6[%parallel_loop3A_118, %parallel_loop3A_119] {strides = array<i32>} : memref<2x5120xi32, #tpu.memory_space<vmem>>, vector<16xi32>,
          %parallel_loop3A_121 = vector.bitcast %parallel_loop3A_120 : vector<16xi32> to vector<16xi32>
          %parallel_loop3A_122 = arith.constant 1 : i32
          %parallel_loop3A_123 = arith.index_cast %parallel_loop3A_122 : i32 to index
          %parallel_loop3A_124 = arith.index_cast %parallel_loop3A_114 : i32 to index
          %parallel_loop3A_125 = tpu.vector_load %arg6[%parallel_loop3A_123, %parallel_loop3A_124] {strides = array<i32>} : memref<2x5120xi32, #tpu.memory_space<vmem>>, vector<16xi32>,
          %parallel_loop3A_126 = vector.bitcast %parallel_loop3A_125 : vector<16xi32> to vector<16xi32>
          %parallel_loop3A_127 = arith.constant 0 : i32
          %parallel_loop3A_128 = arith.index_cast %parallel_loop3A_127 : i32 to index
          %parallel_loop3A_129 = arith.index_cast %parallel_loop3A_116 : i32 to index
          %parallel_loop3A_130 = tpu.vector_load %arg6[%parallel_loop3A_128, %parallel_loop3A_129] {strides = array<i32>} : memref<2x5120xi32, #tpu.memory_space<vmem>>, vector<16xi32>,
          %parallel_loop3A_131 = vector.bitcast %parallel_loop3A_130 : vector<16xi32> to vector<16xi32>
          %parallel_loop3A_132 = arith.constant 1 : i32
          %parallel_loop3A_133 = arith.index_cast %parallel_loop3A_132 : i32 to index
          %parallel_loop3A_134 = arith.index_cast %parallel_loop3A_116 : i32 to index
          %parallel_loop3A_135 = tpu.vector_load %arg6[%parallel_loop3A_133, %parallel_loop3A_134] {strides = array<i32>} : memref<2x5120xi32, #tpu.memory_space<vmem>>, vector<16xi32>,
          %parallel_loop3A_136 = vector.bitcast %parallel_loop3A_135 : vector<16xi32> to vector<16xi32>
          %parallel_loop3A_137 = tpu.vector_load_idx %arg5[%parallel_loop3A_121] : memref<100000xf32, #tpu.memory_space<vmem>>[vector<16xi32>], vector<16xf32>,
          %parallel_loop3A_138 = tpu.vector_load_idx %arg5[%parallel_loop3A_126] : memref<100000xf32, #tpu.memory_space<vmem>>[vector<16xi32>], vector<16xf32>,
          %parallel_loop3A_139 = tpu.vector_load_idx %arg5[%parallel_loop3A_131] : memref<100000xf32, #tpu.memory_space<vmem>>[vector<16xi32>], vector<16xf32>,
          %parallel_loop3A_140 = tpu.vector_load_idx %arg5[%parallel_loop3A_136] : memref<100000xf32, #tpu.memory_space<vmem>>[vector<16xi32>], vector<16xf32>,
          %parallel_loop3A_141 = arith.mulf %parallel_loop3A_137, %parallel_loop3A_138 : vector<16xf32>
          %parallel_loop3A_142 = arith.index_cast %parallel_loop3A_114 : i32 to index
          %parallel_loop3A_143 = tpu.vector_load %arg8[%parallel_loop3A_142] {strides = array<i32>} : memref<5120xf32, #tpu.memory_space<vmem>>, vector<16xf32>,
          tpu.vector_store %arg8[%parallel_loop3A_142], %parallel_loop3A_141 {strides = array<i32>} : memref<5120xf32, #tpu.memory_space<vmem>>, vector<16xf32>,
          %parallel_loop3A_144 = arith.mulf %parallel_loop3A_139, %parallel_loop3A_140 : vector<16xf32>
          %parallel_loop3A_145 = arith.index_cast %parallel_loop3A_116 : i32 to index
          %parallel_loop3A_146 = tpu.vector_load %arg8[%parallel_loop3A_145] {strides = array<i32>} : memref<5120xf32, #tpu.memory_space<vmem>>, vector<16xf32>,
          tpu.vector_store %arg8[%parallel_loop3A_145], %parallel_loop3A_144 {strides = array<i32>} : memref<5120xf32, #tpu.memory_space<vmem>>, vector<16xf32>,
        } {sc.loop_unroll_factor = 2 : i64, sc.parallel_access}
        %mul3A_107 = arith.constant 32 : i32
        %mul3A_108 = arith.muli %mul3A_37, %mul3A_107 : i32
        %add3A_109 = arith.addi %add3A, %mul3A_108 : i32
        %mul3A_110 = arith.constant 5120 : i32
        %mul3A_111 = arith.muli %add3A_109, %mul3A_110 : i32
        %dma_start3A_112 = tpu.memref_slice %arg4[%mul3A_111] : memref<6400000xf32, #tpu.memory_space<hbm>> -> memref<5120xf32, #tpu.memory_space<hbm>>
        %dma_start3A_113 = tpu.memref_slice %arg4[%mul3A_111] : memref<6400000xf32, #tpu.memory_space<hbm>> -> memref<5120xf32, #tpu.memory_space<hbm>>
        tpu.enqueue_dma source(%arg8 : memref<5120xf32, #tpu.memory_space<vmem>>) target(%dma_start3A_113 : memref<5120xf32, #tpu.memory_space<hbm>>) target_semaphore(%arg12 : memref<!tpu.dma_semaphore, #tpu.memory_space<semaphore_mem>>)
      } else {
      }
      %add3A_66 = arith.constant 2 : i32
      %add3A_67 = arith.addi %mul3A_37, %add3A_66 : i32
      %mul3A_68 = arith.constant 32 : i32
      %mul3A_69 = arith.muli %add3A_67, %mul3A_68 : i32
      %add3A_70 = arith.addi %add3A, %mul3A_69 : i32
      %lt3A_71 = arith.constant 1250 : i32
      %lt3A_72 = arith.cmpi slt, %add3A_70, %lt3A_71 : i32
      %convert_element_type3A_73 = arith.extui %lt3A_72 : i1 to i32
      %cond3A_74 = arith.constant 0 : i32
      %cond3A_75 = arith.cmpi ne, %convert_element_type3A_73, %cond3A_74 : i32
      scf.if %cond3A_75 {
        %add3A_97 = arith.constant 2 : i32
        %add3A_98 = arith.addi %mul3A_37, %add3A_97 : i32
        %mul3A_99 = arith.constant 32 : i32
        %mul3A_100 = arith.muli %add3A_98, %mul3A_99 : i32
        %add3A_101 = arith.addi %add3A, %mul3A_100 : i32
        %mul3A_102 = arith.constant 5120 : i32
        %mul3A_103 = arith.muli %add3A_101, %mul3A_102 : i32
        %dma_start3A_104 = arith.constant 0 : i32
        %dma_start3A_105 = tpu.memref_slice %arg3[%dma_start3A_104, %mul3A_103] : memref<2x6400000xi32, #tpu.memory_space<hbm>> -> memref<2x5120xi32, #tpu.memory_space<hbm>>
        %dma_start3A_106 = arith.constant 0 : i32
        %dma_start3A_107 = tpu.memref_slice %arg3[%dma_start3A_106, %mul3A_103] : memref<2x6400000xi32, #tpu.memory_space<hbm>> -> memref<2x5120xi32, #tpu.memory_space<hbm>>
        tpu.enqueue_dma source(%dma_start3A_107 : memref<2x5120xi32, #tpu.memory_space<hbm>>) target(%arg6 : memref<2x5120xi32, #tpu.memory_space<vmem>>) target_semaphore(%arg10 : memref<!tpu.dma_semaphore, #tpu.memory_space<semaphore_mem>>)
      } else {
      }
      %gt3A_76 = arith.constant 0 : i32
      %gt3A_77 = arith.cmpi sgt, %while3A_35, %gt3A_76 : i32
      %sub3A_78 = arith.constant 2 : i32
      %sub3A_79 = arith.subi %add3A_39, %sub3A_78 : i32
      %mul3A_80 = arith.constant 32 : i32
      %mul3A_81 = arith.muli %sub3A_79, %mul3A_80 : i32
      %add3A_82 = arith.addi %add3A, %mul3A_81 : i32
      %lt3A_83 = arith.constant 1250 : i32
      %lt3A_84 = arith.cmpi slt, %add3A_82, %lt3A_83 : i32
      %and3A_85 = arith.andi %gt3A_77, %lt3A_84 : i1
      %convert_element_type3A_86 = arith.extui %and3A_85 : i1 to i32
      %cond3A_87 = arith.constant 0 : i32
      %cond3A_88 = arith.cmpi ne, %convert_element_type3A_86, %cond3A_87 : i32
      scf.if %cond3A_88 {
        %sub3A_97 = arith.constant 2 : i32
        %sub3A_98 = arith.subi %add3A_39, %sub3A_97 : i32
        %mul3A_99 = arith.constant 32 : i32
        %mul3A_100 = arith.muli %sub3A_98, %mul3A_99 : i32
        %add3A_101 = arith.addi %add3A, %mul3A_100 : i32
        %mul3A_102 = arith.constant 5120 : i32
        %mul3A_103 = arith.muli %add3A_101, %mul3A_102 : i32
        %dma_wait3A = tpu.memref_slice %arg4[%mul3A_103] : memref<6400000xf32, #tpu.memory_space<hbm>> -> memref<5120xf32, #tpu.memory_space<hbm>>
        %dma_wait3A_104 = tpu.memref_slice %arg4[%mul3A_103] : memref<6400000xf32, #tpu.memory_space<hbm>> -> memref<5120xf32, #tpu.memory_space<hbm>>
        tpu.wait_dma2 semaphore(%arg13 : memref<!tpu.dma_semaphore, #tpu.memory_space<semaphore_mem>>) src(%arg9 : memref<5120xf32, #tpu.memory_space<vmem>>) dst(%dma_wait3A_104 : memref<5120xf32, #tpu.memory_space<hbm>>)
      } else {
      }
      %mul3A_89 = arith.constant 32 : i32
      %mul3A_90 = arith.muli %add3A_39, %mul3A_89 : i32
      %add3A_91 = arith.addi %add3A, %mul3A_90 : i32
      %lt3A_92 = arith.constant 1250 : i32
      %lt3A_93 = arith.cmpi slt, %add3A_91, %lt3A_92 : i32
      %convert_element_type3A_94 = arith.extui %lt3A_93 : i1 to i32
      %cond3A_95 = arith.constant 0 : i32
      %cond3A_96 = arith.cmpi ne, %convert_element_type3A_94, %cond3A_95 : i32
      scf.if %cond3A_96 {
        %mul3A_97 = arith.constant 32 : i32
        %mul3A_98 = arith.muli %add3A_39, %mul3A_97 : i32
        %add3A_99 = arith.addi %add3A, %mul3A_98 : i32
        %mul3A_100 = arith.constant 5120 : i32
        %mul3A_101 = arith.muli %add3A_99, %mul3A_100 : i32
        %dma_wait3A = arith.constant 0 : i32
        %dma_wait3A_102 = tpu.memref_slice %arg3[%dma_wait3A, %mul3A_101] : memref<2x6400000xi32, #tpu.memory_space<hbm>> -> memref<2x5120xi32, #tpu.memory_space<hbm>>
        %dma_wait3A_103 = arith.constant 0 : i32
        %dma_wait3A_104 = tpu.memref_slice %arg3[%dma_wait3A_103, %mul3A_101] : memref<2x6400000xi32, #tpu.memory_space<hbm>> -> memref<2x5120xi32, #tpu.memory_space<hbm>>
        tpu.wait_dma2 semaphore(%arg11 : memref<!tpu.dma_semaphore, #tpu.memory_space<semaphore_mem>>) src(%dma_wait3A_104 : memref<2x5120xi32, #tpu.memory_space<hbm>>) dst(%arg7 : memref<2x5120xi32, #tpu.memory_space<vmem>>)
        %parallel_loop3A = arith.constant 0 : i32
        %parallel_loop3A_105 = arith.constant 5120 : i32
        %parallel_loop3A_106 = arith.constant 32 : i32
        scf.for %parallel_loop3A_114 = %parallel_loop3A to %parallel_loop3A_105 step %parallel_loop3A_106  : i32 {
          %parallel_loop3A_115 = arith.constant 16 : i32
          %parallel_loop3A_116 = arith.addi %parallel_loop3A_114, %parallel_loop3A_115 : i32
          %parallel_loop3A_117 = arith.constant 0 : i32
          %parallel_loop3A_118 = arith.index_cast %parallel_loop3A_117 : i32 to index
          %parallel_loop3A_119 = arith.index_cast %parallel_loop3A_114 : i32 to index
          %parallel_loop3A_120 = tpu.vector_load %arg7[%parallel_loop3A_118, %parallel_loop3A_119] {strides = array<i32>} : memref<2x5120xi32, #tpu.memory_space<vmem>>, vector<16xi32>,
          %parallel_loop3A_121 = vector.bitcast %parallel_loop3A_120 : vector<16xi32> to vector<16xi32>
          %parallel_loop3A_122 = arith.constant 1 : i32
          %parallel_loop3A_123 = arith.index_cast %parallel_loop3A_122 : i32 to index
          %parallel_loop3A_124 = arith.index_cast %parallel_loop3A_114 : i32 to index
          %parallel_loop3A_125 = tpu.vector_load %arg7[%parallel_loop3A_123, %parallel_loop3A_124] {strides = array<i32>} : memref<2x5120xi32, #tpu.memory_space<vmem>>, vector<16xi32>,
          %parallel_loop3A_126 = vector.bitcast %parallel_loop3A_125 : vector<16xi32> to vector<16xi32>
          %parallel_loop3A_127 = arith.constant 0 : i32
          %parallel_loop3A_128 = arith.index_cast %parallel_loop3A_127 : i32 to index
          %parallel_loop3A_129 = arith.index_cast %parallel_loop3A_116 : i32 to index
          %parallel_loop3A_130 = tpu.vector_load %arg7[%parallel_loop3A_128, %parallel_loop3A_129] {strides = array<i32>} : memref<2x5120xi32, #tpu.memory_space<vmem>>, vector<16xi32>,
          %parallel_loop3A_131 = vector.bitcast %parallel_loop3A_130 : vector<16xi32> to vector<16xi32>
          %parallel_loop3A_132 = arith.constant 1 : i32
          %parallel_loop3A_133 = arith.index_cast %parallel_loop3A_132 : i32 to index
          %parallel_loop3A_134 = arith.index_cast %parallel_loop3A_116 : i32 to index
          %parallel_loop3A_135 = tpu.vector_load %arg7[%parallel_loop3A_133, %parallel_loop3A_134] {strides = array<i32>} : memref<2x5120xi32, #tpu.memory_space<vmem>>, vector<16xi32>,
          %parallel_loop3A_136 = vector.bitcast %parallel_loop3A_135 : vector<16xi32> to vector<16xi32>
          %parallel_loop3A_137 = tpu.vector_load_idx %arg5[%parallel_loop3A_121] : memref<100000xf32, #tpu.memory_space<vmem>>[vector<16xi32>], vector<16xf32>,
          %parallel_loop3A_138 = tpu.vector_load_idx %arg5[%parallel_loop3A_126] : memref<100000xf32, #tpu.memory_space<vmem>>[vector<16xi32>], vector<16xf32>,
          %parallel_loop3A_139 = tpu.vector_load_idx %arg5[%parallel_loop3A_131] : memref<100000xf32, #tpu.memory_space<vmem>>[vector<16xi32>], vector<16xf32>,
          %parallel_loop3A_140 = tpu.vector_load_idx %arg5[%parallel_loop3A_136] : memref<100000xf32, #tpu.memory_space<vmem>>[vector<16xi32>], vector<16xf32>,
          %parallel_loop3A_141 = arith.mulf %parallel_loop3A_137, %parallel_loop3A_138 : vector<16xf32>
          %parallel_loop3A_142 = arith.index_cast %parallel_loop3A_114 : i32 to index
          %parallel_loop3A_143 = tpu.vector_load %arg9[%parallel_loop3A_142] {strides = array<i32>} : memref<5120xf32, #tpu.memory_space<vmem>>, vector<16xf32>,
          tpu.vector_store %arg9[%parallel_loop3A_142], %parallel_loop3A_141 {strides = array<i32>} : memref<5120xf32, #tpu.memory_space<vmem>>, vector<16xf32>,
          %parallel_loop3A_144 = arith.mulf %parallel_loop3A_139, %parallel_loop3A_140 : vector<16xf32>
          %parallel_loop3A_145 = arith.index_cast %parallel_loop3A_116 : i32 to index
          %parallel_loop3A_146 = tpu.vector_load %arg9[%parallel_loop3A_145] {strides = array<i32>} : memref<5120xf32, #tpu.memory_space<vmem>>, vector<16xf32>,
          tpu.vector_store %arg9[%parallel_loop3A_145], %parallel_loop3A_144 {strides = array<i32>} : memref<5120xf32, #tpu.memory_space<vmem>>, vector<16xf32>,
        } {sc.loop_unroll_factor = 2 : i64, sc.parallel_access}
        %mul3A_107 = arith.constant 32 : i32
        %mul3A_108 = arith.muli %add3A_39, %mul3A_107 : i32
        %add3A_109 = arith.addi %add3A, %mul3A_108 : i32
        %mul3A_110 = arith.constant 5120 : i32
        %mul3A_111 = arith.muli %add3A_109, %mul3A_110 : i32
        %dma_start3A_112 = tpu.memref_slice %arg4[%mul3A_111] : memref<6400000xf32, #tpu.memory_space<hbm>> -> memref<5120xf32, #tpu.memory_space<hbm>>
        %dma_start3A_113 = tpu.memref_slice %arg4[%mul3A_111] : memref<6400000xf32, #tpu.memory_space<hbm>> -> memref<5120xf32, #tpu.memory_space<hbm>>
        tpu.enqueue_dma source(%arg9 : memref<5120xf32, #tpu.memory_space<vmem>>) target(%dma_start3A_113 : memref<5120xf32, #tpu.memory_space<hbm>>) target_semaphore(%arg13 : memref<!tpu.dma_semaphore, #tpu.memory_space<semaphore_mem>>)
      } else {
      }
    }
    %while3A_19 = arith.constant 1 : i32
    scf.for %while3A_35 = %while3A_17 to %while3A_13 step %while3A_19  : i32 {
      %mul3A_36 = arith.constant 2 : i32
      %mul3A_37 = arith.muli %while3A_35, %mul3A_36 : i32
      %add3A_38 = arith.constant 1 : i32
      %add3A_39 = arith.addi %mul3A_37, %add3A_38 : i32
      %mul3A_40 = arith.constant 32 : i32
      %mul3A_41 = arith.muli %add3A_39, %mul3A_40 : i32
      %add3A_42 = arith.addi %add3A, %mul3A_41 : i32
      %lt3A_43 = arith.constant 1250 : i32
      %lt3A_44 = arith.cmpi slt, %add3A_42, %lt3A_43 : i32
      %convert_element_type3A_45 = arith.extui %lt3A_44 : i1 to i32
      %cond3A_46 = arith.constant 0 : i32
      %cond3A_47 = arith.cmpi ne, %convert_element_type3A_45, %cond3A_46 : i32
      scf.if %cond3A_47 {
        %mul3A_97 = arith.constant 32 : i32
        %mul3A_98 = arith.muli %add3A_39, %mul3A_97 : i32
        %add3A_99 = arith.addi %add3A, %mul3A_98 : i32
        %mul3A_100 = arith.constant 5120 : i32
        %mul3A_101 = arith.muli %add3A_99, %mul3A_100 : i32
        %dma_start3A_102 = arith.constant 0 : i32
        %dma_start3A_103 = tpu.memref_slice %arg3[%dma_start3A_102, %mul3A_101] : memref<2x6400000xi32, #tpu.memory_space<hbm>> -> memref<2x5120xi32, #tpu.memory_space<hbm>>
        %dma_start3A_104 = arith.constant 0 : i32
        %dma_start3A_105 = tpu.memref_slice %arg3[%dma_start3A_104, %mul3A_101] : memref<2x6400000xi32, #tpu.memory_space<hbm>> -> memref<2x5120xi32, #tpu.memory_space<hbm>>
        tpu.enqueue_dma source(%dma_start3A_105 : memref<2x5120xi32, #tpu.memory_space<hbm>>) target(%arg7 : memref<2x5120xi32, #tpu.memory_space<vmem>>) target_semaphore(%arg11 : memref<!tpu.dma_semaphore, #tpu.memory_space<semaphore_mem>>)
      } else {
      }
      %gt3A = arith.constant 0 : i32
      %gt3A_48 = arith.cmpi sgt, %while3A_35, %gt3A : i32
      %sub3A = arith.constant 2 : i32
      %sub3A_49 = arith.subi %mul3A_37, %sub3A : i32
      %mul3A_50 = arith.constant 32 : i32
      %mul3A_51 = arith.muli %sub3A_49, %mul3A_50 : i32
      %add3A_52 = arith.addi %add3A, %mul3A_51 : i32
      %lt3A_53 = arith.constant 1250 : i32
      %lt3A_54 = arith.cmpi slt, %add3A_52, %lt3A_53 : i32
      %and3A = arith.andi %gt3A_48, %lt3A_54 : i1
      %convert_element_type3A_55 = arith.extui %and3A : i1 to i32
      %cond3A_56 = arith.constant 0 : i32
      %cond3A_57 = arith.cmpi ne, %convert_element_type3A_55, %cond3A_56 : i32
      scf.if %cond3A_57 {
        %sub3A_97 = arith.constant 2 : i32
        %sub3A_98 = arith.subi %mul3A_37, %sub3A_97 : i32
        %mul3A_99 = arith.constant 32 : i32
        %mul3A_100 = arith.muli %sub3A_98, %mul3A_99 : i32
        %add3A_101 = arith.addi %add3A, %mul3A_100 : i32
        %mul3A_102 = arith.constant 5120 : i32
        %mul3A_103 = arith.muli %add3A_101, %mul3A_102 : i32
        %dma_wait3A = tpu.memref_slice %arg4[%mul3A_103] : memref<6400000xf32, #tpu.memory_space<hbm>> -> memref<5120xf32, #tpu.memory_space<hbm>>
        %dma_wait3A_104 = tpu.memref_slice %arg4[%mul3A_103] : memref<6400000xf32, #tpu.memory_space<hbm>> -> memref<5120xf32, #tpu.memory_space<hbm>>
        tpu.wait_dma2 semaphore(%arg12 : memref<!tpu.dma_semaphore, #tpu.memory_space<semaphore_mem>>) src(%arg8 : memref<5120xf32, #tpu.memory_space<vmem>>) dst(%dma_wait3A_104 : memref<5120xf32, #tpu.memory_space<hbm>>)
      } else {
      }
      %mul3A_58 = arith.constant 32 : i32
      %mul3A_59 = arith.muli %mul3A_37, %mul3A_58 : i32
      %add3A_60 = arith.addi %add3A, %mul3A_59 : i32
      %lt3A_61 = arith.constant 1250 : i32
      %lt3A_62 = arith.cmpi slt, %add3A_60, %lt3A_61 : i32
      %convert_element_type3A_63 = arith.extui %lt3A_62 : i1 to i32
      %cond3A_64 = arith.constant 0 : i32
      %cond3A_65 = arith.cmpi ne, %convert_element_type3A_63, %cond3A_64 : i32
      scf.if %cond3A_65 {
        %mul3A_97 = arith.constant 32 : i32
        %mul3A_98 = arith.muli %mul3A_37, %mul3A_97 : i32
        %add3A_99 = arith.addi %add3A, %mul3A_98 : i32
        %mul3A_100 = arith.constant 5120 : i32
        %mul3A_101 = arith.muli %add3A_99, %mul3A_100 : i32
        %dma_wait3A = arith.constant 0 : i32
        %dma_wait3A_102 = tpu.memref_slice %arg3[%dma_wait3A, %mul3A_101] : memref<2x6400000xi32, #tpu.memory_space<hbm>> -> memref<2x5120xi32, #tpu.memory_space<hbm>>
        %dma_wait3A_103 = arith.constant 0 : i32
        %dma_wait3A_104 = tpu.memref_slice %arg3[%dma_wait3A_103, %mul3A_101] : memref<2x6400000xi32, #tpu.memory_space<hbm>> -> memref<2x5120xi32, #tpu.memory_space<hbm>>
        tpu.wait_dma2 semaphore(%arg10 : memref<!tpu.dma_semaphore, #tpu.memory_space<semaphore_mem>>) src(%dma_wait3A_104 : memref<2x5120xi32, #tpu.memory_space<hbm>>) dst(%arg6 : memref<2x5120xi32, #tpu.memory_space<vmem>>)
        %parallel_loop3A = arith.constant 0 : i32
        %parallel_loop3A_105 = arith.constant 5120 : i32
        %parallel_loop3A_106 = arith.constant 32 : i32
        scf.for %parallel_loop3A_114 = %parallel_loop3A to %parallel_loop3A_105 step %parallel_loop3A_106  : i32 {
          %parallel_loop3A_115 = arith.constant 16 : i32
          %parallel_loop3A_116 = arith.addi %parallel_loop3A_114, %parallel_loop3A_115 : i32
          %parallel_loop3A_117 = arith.constant 0 : i32
          %parallel_loop3A_118 = arith.index_cast %parallel_loop3A_117 : i32 to index
          %parallel_loop3A_119 = arith.index_cast %parallel_loop3A_114 : i32 to index
          %parallel_loop3A_120 = tpu.vector_load %arg6[%parallel_loop3A_118, %parallel_loop3A_119] {strides = array<i32>} : memref<2x5120xi32, #tpu.memory_space<vmem>>, vector<16xi32>,
          %parallel_loop3A_121 = vector.bitcast %parallel_loop3A_120 : vector<16xi32> to vector<16xi32>
          %parallel_loop3A_122 = arith.constant 1 : i32
          %parallel_loop3A_123 = arith.index_cast %parallel_loop3A_122 : i32 to index
          %parallel_loop3A_124 = arith.index_cast %parallel_loop3A_114 : i32 to index
          %parallel_loop3A_125 = tpu.vector_load %arg6[%parallel_loop3A_123, %parallel_loop3A_124] {strides = array<i32>} : memref<2x5120xi32, #tpu.memory_space<vmem>>, vector<16xi32>,
          %parallel_loop3A_126 = vector.bitcast %parallel_loop3A_125 : vector<16xi32> to vector<16xi32>
          %parallel_loop3A_127 = arith.constant 0 : i32
          %parallel_loop3A_128 = arith.index_cast %parallel_loop3A_127 : i32 to index
          %parallel_loop3A_129 = arith.index_cast %parallel_loop3A_116 : i32 to index
          %parallel_loop3A_130 = tpu.vector_load %arg6[%parallel_loop3A_128, %parallel_loop3A_129] {strides = array<i32>} : memref<2x5120xi32, #tpu.memory_space<vmem>>, vector<16xi32>,
          %parallel_loop3A_131 = vector.bitcast %parallel_loop3A_130 : vector<16xi32> to vector<16xi32>
          %parallel_loop3A_132 = arith.constant 1 : i32
          %parallel_loop3A_133 = arith.index_cast %parallel_loop3A_132 : i32 to index
          %parallel_loop3A_134 = arith.index_cast %parallel_loop3A_116 : i32 to index
          %parallel_loop3A_135 = tpu.vector_load %arg6[%parallel_loop3A_133, %parallel_loop3A_134] {strides = array<i32>} : memref<2x5120xi32, #tpu.memory_space<vmem>>, vector<16xi32>,
          %parallel_loop3A_136 = vector.bitcast %parallel_loop3A_135 : vector<16xi32> to vector<16xi32>
          %parallel_loop3A_137 = tpu.vector_load_idx %arg5[%parallel_loop3A_121] : memref<100000xf32, #tpu.memory_space<vmem>>[vector<16xi32>], vector<16xf32>,
          %parallel_loop3A_138 = tpu.vector_load_idx %arg5[%parallel_loop3A_126] : memref<100000xf32, #tpu.memory_space<vmem>>[vector<16xi32>], vector<16xf32>,
          %parallel_loop3A_139 = tpu.vector_load_idx %arg5[%parallel_loop3A_131] : memref<100000xf32, #tpu.memory_space<vmem>>[vector<16xi32>], vector<16xf32>,
          %parallel_loop3A_140 = tpu.vector_load_idx %arg5[%parallel_loop3A_136] : memref<100000xf32, #tpu.memory_space<vmem>>[vector<16xi32>], vector<16xf32>,
          %parallel_loop3A_141 = arith.mulf %parallel_loop3A_137, %parallel_loop3A_138 : vector<16xf32>
          %parallel_loop3A_142 = arith.index_cast %parallel_loop3A_114 : i32 to index
          %parallel_loop3A_143 = tpu.vector_load %arg8[%parallel_loop3A_142] {strides = array<i32>} : memref<5120xf32, #tpu.memory_space<vmem>>, vector<16xf32>,
          tpu.vector_store %arg8[%parallel_loop3A_142], %parallel_loop3A_141 {strides = array<i32>} : memref<5120xf32, #tpu.memory_space<vmem>>, vector<16xf32>,
          %parallel_loop3A_144 = arith.mulf %parallel_loop3A_139, %parallel_loop3A_140 : vector<16xf32>
          %parallel_loop3A_145 = arith.index_cast %parallel_loop3A_116 : i32 to index
          %parallel_loop3A_146 = tpu.vector_load %arg8[%parallel_loop3A_145] {strides = array<i32>} : memref<5120xf32, #tpu.memory_space<vmem>>, vector<16xf32>,
          tpu.vector_store %arg8[%parallel_loop3A_145], %parallel_loop3A_144 {strides = array<i32>} : memref<5120xf32, #tpu.memory_space<vmem>>, vector<16xf32>,
        } {sc.loop_unroll_factor = 2 : i64, sc.parallel_access}
        %mul3A_107 = arith.constant 32 : i32
        %mul3A_108 = arith.muli %mul3A_37, %mul3A_107 : i32
        %add3A_109 = arith.addi %add3A, %mul3A_108 : i32
        %mul3A_110 = arith.constant 5120 : i32
        %mul3A_111 = arith.muli %add3A_109, %mul3A_110 : i32
        %dma_start3A_112 = tpu.memref_slice %arg4[%mul3A_111] : memref<6400000xf32, #tpu.memory_space<hbm>> -> memref<5120xf32, #tpu.memory_space<hbm>>
        %dma_start3A_113 = tpu.memref_slice %arg4[%mul3A_111] : memref<6400000xf32, #tpu.memory_space<hbm>> -> memref<5120xf32, #tpu.memory_space<hbm>>
        tpu.enqueue_dma source(%arg8 : memref<5120xf32, #tpu.memory_space<vmem>>) target(%dma_start3A_113 : memref<5120xf32, #tpu.memory_space<hbm>>) target_semaphore(%arg12 : memref<!tpu.dma_semaphore, #tpu.memory_space<semaphore_mem>>)
      } else {
      }
      %add3A_66 = arith.constant 2 : i32
      %add3A_67 = arith.addi %mul3A_37, %add3A_66 : i32
      %mul3A_68 = arith.constant 32 : i32
      %mul3A_69 = arith.muli %add3A_67, %mul3A_68 : i32
      %add3A_70 = arith.addi %add3A, %mul3A_69 : i32
      %lt3A_71 = arith.constant 1250 : i32
      %lt3A_72 = arith.cmpi slt, %add3A_70, %lt3A_71 : i32
      %convert_element_type3A_73 = arith.extui %lt3A_72 : i1 to i32
      %cond3A_74 = arith.constant 0 : i32
      %cond3A_75 = arith.cmpi ne, %convert_element_type3A_73, %cond3A_74 : i32
      scf.if %cond3A_75 {
        %add3A_97 = arith.constant 2 : i32
        %add3A_98 = arith.addi %mul3A_37, %add3A_97 : i32
        %mul3A_99 = arith.constant 32 : i32
        %mul3A_100 = arith.muli %add3A_98, %mul3A_99 : i32
        %add3A_101 = arith.addi %add3A, %mul3A_100 : i32
        %mul3A_102 = arith.constant 5120 : i32
        %mul3A_103 = arith.muli %add3A_101, %mul3A_102 : i32
        %dma_start3A_104 = arith.constant 0 : i32
        %dma_start3A_105 = tpu.memref_slice %arg3[%dma_start3A_104, %mul3A_103] : memref<2x6400000xi32, #tpu.memory_space<hbm>> -> memref<2x5120xi32, #tpu.memory_space<hbm>>
        %dma_start3A_106 = arith.constant 0 : i32
        %dma_start3A_107 = tpu.memref_slice %arg3[%dma_start3A_106, %mul3A_103] : memref<2x6400000xi32, #tpu.memory_space<hbm>> -> memref<2x5120xi32, #tpu.memory_space<hbm>>
        tpu.enqueue_dma source(%dma_start3A_107 : memref<2x5120xi32, #tpu.memory_space<hbm>>) target(%arg6 : memref<2x5120xi32, #tpu.memory_space<vmem>>) target_semaphore(%arg10 : memref<!tpu.dma_semaphore, #tpu.memory_space<semaphore_mem>>)
      } else {
      }
      %gt3A_76 = arith.constant 0 : i32
      %gt3A_77 = arith.cmpi sgt, %while3A_35, %gt3A_76 : i32
      %sub3A_78 = arith.constant 2 : i32
      %sub3A_79 = arith.subi %add3A_39, %sub3A_78 : i32
      %mul3A_80 = arith.constant 32 : i32
      %mul3A_81 = arith.muli %sub3A_79, %mul3A_80 : i32
      %add3A_82 = arith.addi %add3A, %mul3A_81 : i32
      %lt3A_83 = arith.constant 1250 : i32
      %lt3A_84 = arith.cmpi slt, %add3A_82, %lt3A_83 : i32
      %and3A_85 = arith.andi %gt3A_77, %lt3A_84 : i1
      %convert_element_type3A_86 = arith.extui %and3A_85 : i1 to i32
      %cond3A_87 = arith.constant 0 : i32
      %cond3A_88 = arith.cmpi ne, %convert_element_type3A_86, %cond3A_87 : i32
      scf.if %cond3A_88 {
        %sub3A_97 = arith.constant 2 : i32
        %sub3A_98 = arith.subi %add3A_39, %sub3A_97 : i32
        %mul3A_99 = arith.constant 32 : i32
        %mul3A_100 = arith.muli %sub3A_98, %mul3A_99 : i32
        %add3A_101 = arith.addi %add3A, %mul3A_100 : i32
        %mul3A_102 = arith.constant 5120 : i32
        %mul3A_103 = arith.muli %add3A_101, %mul3A_102 : i32
        %dma_wait3A = tpu.memref_slice %arg4[%mul3A_103] : memref<6400000xf32, #tpu.memory_space<hbm>> -> memref<5120xf32, #tpu.memory_space<hbm>>
        %dma_wait3A_104 = tpu.memref_slice %arg4[%mul3A_103] : memref<6400000xf32, #tpu.memory_space<hbm>> -> memref<5120xf32, #tpu.memory_space<hbm>>
        tpu.wait_dma2 semaphore(%arg13 : memref<!tpu.dma_semaphore, #tpu.memory_space<semaphore_mem>>) src(%arg9 : memref<5120xf32, #tpu.memory_space<vmem>>) dst(%dma_wait3A_104 : memref<5120xf32, #tpu.memory_space<hbm>>)
      } else {
      }
      %mul3A_89 = arith.constant 32 : i32
      %mul3A_90 = arith.muli %add3A_39, %mul3A_89 : i32
      %add3A_91 = arith.addi %add3A, %mul3A_90 : i32
      %lt3A_92 = arith.constant 1250 : i32
      %lt3A_93 = arith.cmpi slt, %add3A_91, %lt3A_92 : i32
      %convert_element_type3A_94 = arith.extui %lt3A_93 : i1 to i32
      %cond3A_95 = arith.constant 0 : i32
      %cond3A_96 = arith.cmpi ne, %convert_element_type3A_94, %cond3A_95 : i32
      scf.if %cond3A_96 {
        %mul3A_97 = arith.constant 32 : i32
        %mul3A_98 = arith.muli %add3A_39, %mul3A_97 : i32
        %add3A_99 = arith.addi %add3A, %mul3A_98 : i32
        %mul3A_100 = arith.constant 5120 : i32
        %mul3A_101 = arith.muli %add3A_99, %mul3A_100 : i32
        %dma_wait3A = arith.constant 0 : i32
        %dma_wait3A_102 = tpu.memref_slice %arg3[%dma_wait3A, %mul3A_101] : memref<2x6400000xi32, #tpu.memory_space<hbm>> -> memref<2x5120xi32, #tpu.memory_space<hbm>>
        %dma_wait3A_103 = arith.constant 0 : i32
        %dma_wait3A_104 = tpu.memref_slice %arg3[%dma_wait3A_103, %mul3A_101] : memref<2x6400000xi32, #tpu.memory_space<hbm>> -> memref<2x5120xi32, #tpu.memory_space<hbm>>
        tpu.wait_dma2 semaphore(%arg11 : memref<!tpu.dma_semaphore, #tpu.memory_space<semaphore_mem>>) src(%dma_wait3A_104 : memref<2x5120xi32, #tpu.memory_space<hbm>>) dst(%arg7 : memref<2x5120xi32, #tpu.memory_space<vmem>>)
        %parallel_loop3A = arith.constant 0 : i32
        %parallel_loop3A_105 = arith.constant 5120 : i32
        %parallel_loop3A_106 = arith.constant 32 : i32
        scf.for %parallel_loop3A_114 = %parallel_loop3A to %parallel_loop3A_105 step %parallel_loop3A_106  : i32 {
          %parallel_loop3A_115 = arith.constant 16 : i32
          %parallel_loop3A_116 = arith.addi %parallel_loop3A_114, %parallel_loop3A_115 : i32
          %parallel_loop3A_117 = arith.constant 0 : i32
          %parallel_loop3A_118 = arith.index_cast %parallel_loop3A_117 : i32 to index
          %parallel_loop3A_119 = arith.index_cast %parallel_loop3A_114 : i32 to index
          %parallel_loop3A_120 = tpu.vector_load %arg7[%parallel_loop3A_118, %parallel_loop3A_119] {strides = array<i32>} : memref<2x5120xi32, #tpu.memory_space<vmem>>, vector<16xi32>,
          %parallel_loop3A_121 = vector.bitcast %parallel_loop3A_120 : vector<16xi32> to vector<16xi32>
          %parallel_loop3A_122 = arith.constant 1 : i32
          %parallel_loop3A_123 = arith.index_cast %parallel_loop3A_122 : i32 to index
          %parallel_loop3A_124 = arith.index_cast %parallel_loop3A_114 : i32 to index
          %parallel_loop3A_125 = tpu.vector_load %arg7[%parallel_loop3A_123, %parallel_loop3A_124] {strides = array<i32>} : memref<2x5120xi32, #tpu.memory_space<vmem>>, vector<16xi32>,
          %parallel_loop3A_126 = vector.bitcast %parallel_loop3A_125 : vector<16xi32> to vector<16xi32>
          %parallel_loop3A_127 = arith.constant 0 : i32
          %parallel_loop3A_128 = arith.index_cast %parallel_loop3A_127 : i32 to index
          %parallel_loop3A_129 = arith.index_cast %parallel_loop3A_116 : i32 to index
          %parallel_loop3A_130 = tpu.vector_load %arg7[%parallel_loop3A_128, %parallel_loop3A_129] {strides = array<i32>} : memref<2x5120xi32, #tpu.memory_space<vmem>>, vector<16xi32>,
          %parallel_loop3A_131 = vector.bitcast %parallel_loop3A_130 : vector<16xi32> to vector<16xi32>
          %parallel_loop3A_132 = arith.constant 1 : i32
          %parallel_loop3A_133 = arith.index_cast %parallel_loop3A_132 : i32 to index
          %parallel_loop3A_134 = arith.index_cast %parallel_loop3A_116 : i32 to index
          %parallel_loop3A_135 = tpu.vector_load %arg7[%parallel_loop3A_133, %parallel_loop3A_134] {strides = array<i32>} : memref<2x5120xi32, #tpu.memory_space<vmem>>, vector<16xi32>,
          %parallel_loop3A_136 = vector.bitcast %parallel_loop3A_135 : vector<16xi32> to vector<16xi32>
          %parallel_loop3A_137 = tpu.vector_load_idx %arg5[%parallel_loop3A_121] : memref<100000xf32, #tpu.memory_space<vmem>>[vector<16xi32>], vector<16xf32>,
          %parallel_loop3A_138 = tpu.vector_load_idx %arg5[%parallel_loop3A_126] : memref<100000xf32, #tpu.memory_space<vmem>>[vector<16xi32>], vector<16xf32>,
          %parallel_loop3A_139 = tpu.vector_load_idx %arg5[%parallel_loop3A_131] : memref<100000xf32, #tpu.memory_space<vmem>>[vector<16xi32>], vector<16xf32>,
          %parallel_loop3A_140 = tpu.vector_load_idx %arg5[%parallel_loop3A_136] : memref<100000xf32, #tpu.memory_space<vmem>>[vector<16xi32>], vector<16xf32>,
          %parallel_loop3A_141 = arith.mulf %parallel_loop3A_137, %parallel_loop3A_138 : vector<16xf32>
          %parallel_loop3A_142 = arith.index_cast %parallel_loop3A_114 : i32 to index
          %parallel_loop3A_143 = tpu.vector_load %arg9[%parallel_loop3A_142] {strides = array<i32>} : memref<5120xf32, #tpu.memory_space<vmem>>, vector<16xf32>,
          tpu.vector_store %arg9[%parallel_loop3A_142], %parallel_loop3A_141 {strides = array<i32>} : memref<5120xf32, #tpu.memory_space<vmem>>, vector<16xf32>,
          %parallel_loop3A_144 = arith.mulf %parallel_loop3A_139, %parallel_loop3A_140 : vector<16xf32>
          %parallel_loop3A_145 = arith.index_cast %parallel_loop3A_116 : i32 to index
          %parallel_loop3A_146 = tpu.vector_load %arg9[%parallel_loop3A_145] {strides = array<i32>} : memref<5120xf32, #tpu.memory_space<vmem>>, vector<16xf32>,
          tpu.vector_store %arg9[%parallel_loop3A_145], %parallel_loop3A_144 {strides = array<i32>} : memref<5120xf32, #tpu.memory_space<vmem>>, vector<16xf32>,
        } {sc.loop_unroll_factor = 2 : i64, sc.parallel_access}
        %mul3A_107 = arith.constant 32 : i32
        %mul3A_108 = arith.muli %add3A_39, %mul3A_107 : i32
        %add3A_109 = arith.addi %add3A, %mul3A_108 : i32
        %mul3A_110 = arith.constant 5120 : i32
        %mul3A_111 = arith.muli %add3A_109, %mul3A_110 : i32
        %dma_start3A_112 = tpu.memref_slice %arg4[%mul3A_111] : memref<6400000xf32, #tpu.memory_space<hbm>> -> memref<5120xf32, #tpu.memory_space<hbm>>
        %dma_start3A_113 = tpu.memref_slice %arg4[%mul3A_111] : memref<6400000xf32, #tpu.memory_space<hbm>> -> memref<5120xf32, #tpu.memory_space<hbm>>
        tpu.enqueue_dma source(%arg9 : memref<5120xf32, #tpu.memory_space<vmem>>) target(%dma_start3A_113 : memref<5120xf32, #tpu.memory_space<hbm>>) target_semaphore(%arg13 : memref<!tpu.dma_semaphore, #tpu.memory_space<semaphore_mem>>)
      } else {
      }
    }
    %mul3A_20 = arith.constant 38 : i32
    %mul3A_21 = arith.constant 32 : i32
    %mul3A_22 = arith.muli %mul3A_20, %mul3A_21 : i32
    %add3A_23 = arith.addi %add3A, %mul3A_22 : i32
    %lt3A = arith.constant 1250 : i32
    %lt3A_24 = arith.cmpi slt, %add3A_23, %lt3A : i32
    %convert_element_type3A = arith.extui %lt3A_24 : i1 to i32
    %cond3A = arith.constant 0 : i32
    %cond3A_25 = arith.cmpi ne, %convert_element_type3A, %cond3A : i32
    scf.if %cond3A_25 {
      %mul3A_35 = arith.constant 38 : i32
      %mul3A_36 = arith.constant 32 : i32
      %mul3A_37 = arith.muli %mul3A_35, %mul3A_36 : i32
      %add3A_38 = arith.addi %add3A, %mul3A_37 : i32
      %mul3A_39 = arith.constant 5120 : i32
      %mul3A_40 = arith.muli %add3A_38, %mul3A_39 : i32
      %dma_wait3A = tpu.memref_slice %arg4[%mul3A_40] : memref<6400000xf32, #tpu.memory_space<hbm>> -> memref<5120xf32, #tpu.memory_space<hbm>>
      %dma_wait3A_41 = tpu.memref_slice %arg4[%mul3A_40] : memref<6400000xf32, #tpu.memory_space<hbm>> -> memref<5120xf32, #tpu.memory_space<hbm>>
      tpu.wait_dma2 semaphore(%arg12 : memref<!tpu.dma_semaphore, #tpu.memory_space<semaphore_mem>>) src(%arg8 : memref<5120xf32, #tpu.memory_space<vmem>>) dst(%dma_wait3A_41 : memref<5120xf32, #tpu.memory_space<hbm>>)
    } else {
    }
    %mul3A_26 = arith.constant 39 : i32
    %mul3A_27 = arith.constant 32 : i32
    %mul3A_28 = arith.muli %mul3A_26, %mul3A_27 : i32
    %add3A_29 = arith.addi %add3A, %mul3A_28 : i32
    %lt3A_30 = arith.constant 1250 : i32
    %lt3A_31 = arith.cmpi slt, %add3A_29, %lt3A_30 : i32
    %convert_element_type3A_32 = arith.extui %lt3A_31 : i1 to i32
    %cond3A_33 = arith.constant 0 : i32
    %cond3A_34 = arith.cmpi ne, %convert_element_type3A_32, %cond3A_33 : i32
    scf.if %cond3A_34 {
      %mul3A_35 = arith.constant 39 : i32
      %mul3A_36 = arith.constant 32 : i32
      %mul3A_37 = arith.muli %mul3A_35, %mul3A_36 : i32
      %add3A_38 = arith.addi %add3A, %mul3A_37 : i32
      %mul3A_39 = arith.constant 5120 : i32
      %mul3A_40 = arith.muli %add3A_38, %mul3A_39 : i32
      %dma_wait3A = tpu.memref_slice %arg4[%mul3A_40] : memref<6400000xf32, #tpu.memory_space<hbm>> -> memref<5120xf32, #tpu.memory_space<hbm>>
      %dma_wait3A_41 = tpu.memref_slice %arg4[%mul3A_40] : memref<6400000xf32, #tpu.memory_space<hbm>> -> memref<5120xf32, #tpu.memory_space<hbm>>
      tpu.wait_dma2 semaphore(%arg13 : memref<!tpu.dma_semaphore, #tpu.memory_space<semaphore_mem>>) src(%arg9 : memref<5120xf32, #tpu.memory_space<vmem>>) dst(%dma_wait3A_41 : memref<5120xf32, #tpu.memory_space<hbm>>)
    } else {
    }
    return
  }
}

</mosaic_0001>

<sc_bundles>
// kernel: kernel.4.cloned.1.call-start
scs
__scs_entry_jumppad:
0x0: {  	(pc) =	sbr.rel $0x88, $3  }
0x1: {  	(tag) =	ssettag $0x0;
	lr =	simm.s32 $0x1  }
0x2: {  	[smem:$0x3F9F] =	sst lr;
	_ =	strace $0xD0000000  }
0x3: {  	_ = 	snop  }
0x4: {  	_ = 	snop  }
0x5: {  	_ = 	snop  }
0x6: {  	_ = 	snop  }
0x7: {  	_ = 	snop  }
__scs_overlays_trampoline_lowered:
0x8: {  	[smem:$0x3FAE] =	sst s0  }
0x9: {  	[smem:$0x3FAF] =	sst s1  }
0xa: {  	[smem:$0x3FB0] =	sst s2  }
0xb: {  	[smem:$0x3FB1] =	sst s3  }
0xc: {  	[smem:$0x3FB2] =	sst s4  }
0xd: {  	[smem:$0x3FB3] =	sst s5  }
0xe: {  	[smem:$0x3FB4] =	sst s6  }
0xf: {  	[smem:$0x3FB5] =	sst s7  }
0x10: {  	[smem:$0x3FB6] =	sst s8  }
0x11: {  	[smem:$0x3FB7] =	sst s9;
	s0 =	simm.s32 @!p0 $0x0  }
0x12: {  	s1 =	sld [smem:$0x3F9D];
	s0 =	simm.s32 @p0 $0x1  }
0x13: {  	[smem:$0x3FB8] =	sst s0;
	s0 =	simm.s32 @!p1 $0x0  }
0x14: {  	s2 =	sld [smem:$0x3F9C];
	s0 =	simm.s32 @p1 $0x1  }
0x15: {  	[smem:$0x3FB9] =	sst s0;
	s0 =	simm.s32 @!p2 $0x0  }
0x16: {  	s3 =	sld [smem:$0x3FDB];
	s0 =	simm.s32 @p2 $0x1  }
0x17: {  	s4 =	simm.s32 $0x1BF5;
	[smem:$0x3FBB] =	sst s0  }
0x18: {  	s0 =	sld [smem:$0x3F9E];
	_ =	swait.ge [sflag:s4], $0x0  }
0x19: {  	s7 =	sld [smem:$0x3F9F]  }
0x1a: {  	s8 =	sadd.s32 $0xFFFFE003, lr  }
0x1b: {  	s9 =	sadd.s32 $0xFFFFFEF7, lr;
	s5 =	simm.s32 $0xFFFFFFFF;
	p2 =	slt.u32 s8, $0xFFFFF086  }
0x1c: {  	p1 =	slt.u32 s9, $0xF7A;
	s5 =	simm.s32 @!p2 $0x0  }
0x1d: {  	s5 =	simm.s32 @p1 $0x1;
	p0 =	seq.s32 s7, s2  }
0x1e: {  	s7 =	smul.u32 @!p0 $0xF7A, s2;
	p2 =	seq.s32 @!p0 s5, $0x0  }
0x1f: {  	s9 =	smul.u32 $0xF7A, s1;
	s8 =	simm.s32 @!p0 $0x1BF5;
	p2 =	por !p2, p0  }
0x20: {  	[sflag:s8] =	ssyncset.s32 @!p0 $0xFFFFF086;
	s6 =	sadd.s32 @!p0 s3, s7;
	s7 =	simm.s32 @!p0 $0x108  }
0x21: {  	s3 =	sadd.s32 s3, s9;
	s6 =	sadd.s32 @!p0 $0x88, s6;
	s7 =	simm.s32 @p2 $0x1082  }
0x22: {  	[simem:s7], [sflag:s8] =	dma.local @!p0 [hbm:s6], $0xF7A  }
0x23: {  	s9 =	sor.u32 $0xD0000000, s2;
	s6 =	simm.s32 $0x108;
	_ =	swait.ge @!p0 [sflag:s8], $0x0  }
0x24: {  	s3 =	sadd.s32 $0x88, s3;
	s6 =	simm.s32 @!p1 $0x1082;
	[sflag:s4] =	ssyncset.s32 $0xFFFFF086  }
0x25: {  	[simem:s6], [sflag:s4] =	dma.local [hbm:s3], $0xF7A  }
0x26: {  	[smem:$0x3F9F] =	sst s1;
	(tag) =	ssettag s2;
	_ =	strace s9  }
0x27: {  	s1 =	sld [smem:$0x3FAF]  }
0x28: {  	s2 =	sld [smem:$0x3FB0]  }
0x29: {  	s4 =	sld [smem:$0x3FB2]  }
0x2a: {  	p0 =	seq.s32 s5, $0x0;
	s5 =	sld [smem:$0x3FB3]  }
0x2b: {  	s6 =	sld [smem:$0x3FB4]  }
0x2c: {  	s7 =	sld [smem:$0x3FB5]  }
0x2d: {  	s3 =	simm.s32 $0x108;
	s8 =	sld [smem:$0x3FB6]  }
0x2e: {  	s3 =	simm.s32 @!p0 $0x1082;
	s9 =	sld [smem:$0x3FB7]  }
0x2f: {  	lr =	sadd.s32 s0, s3;
	s0 =	sld [smem:$0x3FAE]  }
0x30: {  	s3 =	sld [smem:$0x3FB1]  }
0x31: {  	[smem:$0x3FBA] =	sst s10  }
0x32: {  	s10 =	sld [smem:$0x3FB8];
	_ =	sdelay $0x3  }
0x33: {  	p0 =	seq.s32 s10, $0x1;
	s10 =	sld [smem:$0x3FBA];
	_ =	sdelay $0x3  }
0x34: {  	[smem:$0x3FBA] =	sst s10  }
0x35: {  	s10 =	sld [smem:$0x3FB9];
	_ =	sdelay $0x3  }
0x36: {  	p1 =	seq.s32 s10, $0x1;
	s10 =	sld [smem:$0x3FBA];
	_ =	sdelay $0x3  }
0x37: {  	[smem:$0x3FBA] =	sst s10  }
0x38: {  	s10 =	sld [smem:$0x3FBB]  }
0x39: {  	_ = 	snop;
	(pc) =	sbr.ind lr, $3  }
0x3a: {  	_ = 	snop  }
0x3b: {  	_ = 	snop  }
0x3c: {  	p2 =	seq.s32 s10, $0x1;
	s10 =	sld [smem:$0x3FBA]  }
0x3d: {  	_ =	shalt  }
0x3e: {  	_ =	shalt  }
0x3f: {  	_ =	shalt  }
0x40: {  	_ =	shalt  }
0x41: {  	_ =	shalt  }
0x42: {  	_ =	shalt  }
0x43: {  	_ =	shalt  }
0x44: {  	_ =	shalt  }
0x45: {  	_ =	shalt  }
0x46: {  	_ =	shalt  }
0x47: {  	_ =	shalt  }
0x48: {  	_ =	shalt  }
0x49: {  	_ =	shalt  }
0x4a: {  	_ =	shalt  }
0x4b: {  	_ =	shalt  }
0x4c: {  	_ =	shalt  }
0x4d: {  	_ =	shalt  }
0x4e: {  	_ =	shalt  }
0x4f: {  	_ =	shalt  }
0x50: {  	_ =	shalt  }
0x51: {  	_ =	shalt  }
0x52: {  	_ =	shalt  }
0x53: {  	_ =	shalt  }
0x54: {  	_ =	shalt  }
0x55: {  	_ =	shalt  }
0x56: {  	_ =	shalt  }
0x57: {  	_ =	shalt  }
0x58: {  	_ =	shalt  }
0x59: {  	_ =	shalt  }
0x5a: {  	_ =	shalt  }
0x5b: {  	_ =	shalt  }
0x5c: {  	_ =	shalt  }
0x5d: {  	_ =	shalt  }
0x5e: {  	_ =	shalt  }
0x5f: {  	_ =	shalt  }
0x60: {  	_ =	shalt  }
0x61: {  	_ =	shalt  }
0x62: {  	_ =	shalt  }
0x63: {  	_ =	shalt  }
0x64: {  	_ =	shalt  }
0x65: {  	_ =	shalt  }
0x66: {  	_ =	shalt  }
0x67: {  	_ =	shalt  }
0x68: {  	_ =	shalt  }
0x69: {  	_ =	shalt  }
0x6a: {  	_ =	shalt  }
0x6b: {  	_ =	shalt  }
0x6c: {  	_ =	shalt  }
0x6d: {  	_ =	shalt  }
0x6e: {  	_ =	shalt  }
0x6f: {  	_ =	shalt  }
0x70: {  	_ =	shalt  }
0x71: {  	_ =	shalt  }
0x72: {  	_ =	shalt  }
0x73: {  	_ =	shalt  }
0x74: {  	_ =	shalt  }
0x75: {  	_ =	shalt  }
0x76: {  	_ =	shalt  }
0x77: {  	_ =	shalt  }
0x78: {  	_ =	shalt  }
0x79: {  	_ =	shalt  }
0x7a: {  	_ =	shalt  }
0x7b: {  	_ =	shalt  }
0x7c: {  	_ =	shalt  }
0x7d: {  	_ =	shalt  }
0x7e: {  	_ =	shalt  }
0x7f: {  	_ =	shalt  }
0x80: {  	_ =	shalt  }
0x81: {  	_ =	shalt  }
0x82: {  	_ =	shalt  }
0x83: {  	_ =	shalt  }
0x84: {  	_ =	shalt  }
0x85: {  	_ =	shalt  }
0x86: {  	_ =	shalt  }
0x87: {  	_ =	shalt  }
.Lfunc_end0:
.L_simem_size_0:
called_computation_lowered:
.L_overlay_start_0:
0x88: {  	s2 =	sld [smem:$0x3FD9]  }
0x89: {  	s3 =	sld [smem:$0x3FFE];
	_ =	sdelay $0x1  }
0x8a: {  	s1 =	srdreg.scid  }
0x8b: {  	s0 =	sand.u32 $0x1, s1  }
0x8c: {  	s17 =	sshll.u32 s0, $0xA;
	s2 =	sadd.s32 s3, s2  }
0x8d: {  	s2 =	sadd.s32 s2, s17  }
0x8e: {  	[smem:$0x3FC6] =	sst s2  }
0x8f: {  	_ = 	snop  }
0x90: {  	s2 =	sld [smem:$0x3FD0];
	(tm) =	ssettm $0x1  }
0x91: {  	s18 =	sld [smem:$0x3FFB];
	_ =	sdelay $0x3  }
0x92: {  	_ =	strace s18  }
0x93: {  	s3 =	sld [smem:$0x3FFC];
	_ =	sdelay $0x3  }
0x94: {  	_ =	strace s3  }
0x95: {  	s3 =	sld [smem:$0x3FFD];
	_ =	sdelay $0x3  }
0x96: {  	_ =	strace s3  }
0x97: {  	_ =	strace $0x8FFFFFFF  }
0x98: {  	s19 =	sld [smem:$0x3FDB];
	_ =	sdelay $0x1  }
0x99: {  	s4 =	simm.s32 $_scs_section_size  }
0x9a: {  	s5 =	simm.s32 $_size__tile_overlayer_lowered;
	s6 =	simm.s32 $_tile_overlayer_lowered  }
0x9b: {  	s22 =	simm.s32 $0x1BFF;
	s21 =	sshll.u32 s6, $0x1;
	s3 =	sadd.s32 s4, s19  }
0x9c: {  	s7 =	simm.s32 $0x0;
	s20 =	sshll.u32 s5, $0x1;
	s5 =	sadd.s32 s21, s3  }
0x9d: {  	[timem:s7], [sflag:s22] =	dma.local [hbm:s5], s20  }
0x9e: {  	_ =	swait.ge [sflag:s22], s20  }
0x9f: {  	s4 =	ssub.s32 $0x0, s20;
	[sflag:s22] =	ssyncset.done $0x0  }
0xa0: {  	[sflag:s22] =	ssyncadd.s32 s4;
	_ =	sdelay $0x1  }
0xa1: {  	s23 =	simm.s32 $0x1B8B  }
0xa2: {  	_ =	swait.ge [sflag:s23], $0x1  }
0xa3: {  	[sflag:s23] =	ssyncset.done $0x0  }
0xa4: {  	s25 =	simm.s32 $0x1B8E;
	s24 =	sld [smem:$0x3FFE];
	[sflag:s23] =	ssyncadd.s32 $0xFFFFFFFF  }
0xa5: {  	s26 =	simm.s32 $execute0_lowered;
	[smem:$0x3FD2] =	sst s25  }
0xa6: {  	s5 =	sshll.u32 s26, $0x1;
	_ =	strace $0x80000046;
	[dreg:$0x1] =	wrdreg $0xFFFFFFFF  }
0xa7: {  	s28 =	simm.s32 $_size_execute0_lowered;
	s3 =	sadd.s32 s3, s5;
	[dreg:$0x0] =	wrdreg $0x0  }
0xa8: {  	s5 =	sshll.u32 s28, $0x1;
	[dreg:$0x2] =	wrdreg s3  }
0xa9: {  	[dreg:$0x3] =	wrdreg s5  }
0xaa: {  	[dreg:$0x4] =	wrdreg $0xC0  }
0xab: {  	_ =	task [dreg:s7], $0x5FFFF  }
0xac: {  	[dreg:$0x1] =	wrdreg $0xFFFFFFFF  }
0xad: {  	[dreg:$0x0] =	wrdreg $0x60  }
0xae: {  	[dreg:$0x2] =	wrdreg s2  }
0xaf: {  	[dreg:$0x3] =	wrdreg s24  }
0xb0: {  	[dreg:$0x4] =	wrdreg $0x34000  }
0xb1: {  	[dreg:$0x5] =	wrdreg $0x34100  }
0xb2: {  	[dreg:$0x6] =	wrdreg $0x9  }
0xb3: {  	_ =	task.clear_ibuf [dreg:s7], $0x7FFFF;
	_ =	strace $0x90000046  }
0xb4: {  	s29 =	simm.s32 $0x9;
	_ =	strace $0x80000048  }
0xb5: {  	_ =	swait.ge [sflag:s29], $0x1  }
0xb6: {  	[sflag:s29] =	ssyncadd.s32 $0xFFFFFFFF  }
0xb7: {  	_ =	strace $0x90000048  }
0xb8: {  	_ =	sfence  }
0xb9: {  	s30 =	sld [smem:$0x0];
	_ =	sdelay $0x2  }
0xba: {  	s31 =	sshll.u32 s1, $0xD;
	s1 =	sshrl.u32 s1, $0x2  }
0xbb: {  	s3 =	sand.u32 $0x4000, s31;
	s1 =	sadd.s32 s1, s30  }
0xbc: {  	s0 =	sor.u32 s3, s0;
	s1 =	sshll.u32 s1, $0x11  }
0xbd: {  	s0 =	sor.u32 s1, s0  }
0xbe: {  	s0 =	sadd.s32 $0x8F2B, s0  }
0xbf: {  	[sflag:s0] =	ssyncadd.remote.s32 $0x1  }
0xc0: {  	_ =	sfence.sel $0xFFFF  }
0xc1: {  	[dreg:$0x0] =	wrdreg $0xFFFFFFFF;
	(pc) =	sbr.abs _section_cstart, $3  }
0xc2: {  	[dreg:$0x1] =	wrdreg $0xFFFFFFFF  }
0xc3: {  	_ =	task.clear_ibuf [dreg:s7], $0x2FFFF;
	_ =	strace $0x9FFFFFFF  }
0xc4: {  	(tm) =	ssettm $0x7FFFFFFF  }
0xc5: {  	_ =	shalt  }
tec
execute0_lowered:
.L_overlay_start_1:
0x0: {  	(tag) =	ssettag $0x1  }
0x1: {  	s5 =	rddreg [dreg:$0x0]  }
0x2: {  	s6 =	rddreg [dreg:$0x1]  }
0x3: {  	s2 =	rddreg [dreg:$0x2]  }
0x4: {  	s3 =	rddreg [dreg:$0x3]  }
0x5: {  	s0 =	rddreg [dreg:$0x4]  }
0x6: {  	s1 =	stileid.u32;
	s7 =	srdreg.scid  }
0x7: {  	s4 =	simm.s32 $0x0;
	s11 =	simm.s32 $0x3100;
	s12 =	simm.s32 $0x3180  }
0x8: {  	s13 =	simm.s32 $0x3200;
	s14 =	simm.s32 $0x3300;
	s8 =	smul.u32 $0x30E, s1  }
0x9: {  	s15 =	sand.u32 $0x1, s7;
	[smem:$0x7FF] =	sst s4;
	p0 =	seq.s32 s1, $0xF  }
0xa: {  	s31 =	sshll.u32 s1, $0x4;
	s7 =	ssub.s32 $0x2, s15;
	_ =	strace $0x80000047  }
0xb: {  	s8 =	simm.s32 @p0 $0x2DC6;
	s9 =	sshrl.u32 s7, $0x1;
	p0 =	sne.s32 s15, $0x0  }
0xc: {  	s15 =	simm.s32 $0x0;
	s10 =	sadd.s32 s8, s6;
	s9 =	ssub.s32 s7, s9  }
0xd: {  	s5 =	sadd.s32 s5, s8;
	s6 =	sadd.s32 s31, s2;
	s7 =	sadd.s32 s31, s3  }
0xe: {  	s8 =	sadd.s32 $0x400, s10;
	s9 =	smax.u32 s9, $0x1;
	s10 =	simm.s32 $0x1  }
.LBB2_1:
0xf: {  	[tilespmem:s4], [sflag:$0x1] =	stream.linear.gather [hbm4b:s5+s4], $0x1870, $0x38;
	[tilespmem:$0x3420] =	vst v63  }
0x10: {  	_ =	swait.ge [sflag:s10], $0x1870  }
0x11: {  	[sflag:s10] =	ssyncset.done $0x0  }
0x12: {  	s17 =	simm.s32 $0x0;
	[sflag:s10] =	ssyncadd.s32 $0xFFFFE790  }
0x13: {  	v0 =	vld [tilespmem:s17+$0x0];
	_ =	sdelay $0x1  }
0x14: {  	s16 =	simm.s32 $0x10  }
0x15: {  	v1 =	vld [tilespmem:s16+$0x0];
	_ =	sdelay $0x1  }
0x16: {  	v0 =	vsub.f32 $0.0e+00, v0;
	_ =	sdelay $0x1  }
0x17: {  	v0 =	vmul.f32 $1.442695020e+00, v0  }
0x18: {  	v1 =	vsub.f32 $0.0e+00, v1  }
0x19: {  	s18 =	simm.s32 $0x20;
	(erf) = vpow2.f32 v0  }
0x1a: {  	v0 =	vmul.f32 $1.442695020e+00, v1;
	v1 =	vld [tilespmem:s18+$0x0];
	_ =	sdelay $0x1  }
0x1b: {  	(erf) = vpow2.f32 v0  }
0x1c: {  	s19 =	simm.s32 $0x30  }
0x1d: {  	v0 =	vld [tilespmem:s19+$0x0]  }
0x1e: {  	v1 =	vsub.f32 $0.0e+00, v1;
	_ =	sdelay $0x1  }
0x1f: {  	v1 =	vmul.f32 $1.442695020e+00, v1  }
0x20: {  	v2 =	vpop (erf)  }
0x21: {  	v0 =	vsub.f32 $0.0e+00, v0;
	v2 =	vadd.f32 $1.000000000e+00, v2  }
0x22: {  	(erf) = vpow2.f32 v1  }
0x23: {  	v0 =	vmul.f32 $1.442695020e+00, v0;
	v1 =	vpop (erf);
	(erf) = vrcp.f32 v2  }
0x24: {  	s20 =	simm.s32 $0x40;
	v3 =	vadd.f32 $1.000000000e+00, v1  }
0x25: {  	v2 =	vld [tilespmem:s20+$0x0];
	(erf) = vpow2.f32 v0  }
0x26: {  	(erf) = vrcp.f32 v3;
	_ =	sdelay $0x2  }
0x27: {  	s21 =	simm.s32 $0x140;
	v1 =	vimm.f32 $-3.399999950e+38;
	v0 =	vimm.f32 $3.399999950e+38  }
.LBB2_2:
0x28: {  	s22 =	sshra.s32 s21, $0x2;
	v3 =	vsub.f32 $0.0e+00, v2;
	p1 =	sne.s32 s21, $0x6180  }
.Ltmp0:
0x29: {  	s21 =	sadd.s32 $0x40, s21;
	v2 =	vld [tilespmem:s22+$0x0];
	v4 =	vpop (erf);
	(pc) =	sbr.rel @p1 .LBB2_2-.Ltmp0, $4  }
0x2a: {  	v3 =	vmul.f32 $1.442695020e+00, v3;
	v5 =	vpop (erf)  }
0x2b: {  	v4 =	vadd.f32 $1.000000000e+00, v4;
	[tilespmem:s17+$0x1880] =	vst v5;
	v0 =	vmin.f32 v0, v5;
	v1 =	vmax.f32 v1, v5;
	s17 =	smov.u32 s16;
	s16 =	smov.u32 s18;
	s18 =	smov.u32 s19  }
0x2c: {  	s19 =	smov.u32 s20;
	s20 =	smov.u32 s22;
	(erf) = vpow2.f32 v3  }
0x2d: {  	(erf) = vrcp.f32 v4  }
0x2e: {  	v2 =	vsub.f32 $0.0e+00, v2;
	_ =	sdelay $0x1  }
0x2f: {  	v2 =	vmul.f32 $1.442695020e+00, v2;
	_ =	sdelay $0x1  }
0x30: {  	(erf) = vpow2.f32 v2;
	_ =	sdelay $0x4  }
0x31: {  	v2 =	vpop (erf)  }
0x32: {  	v3 =	vpop (erf)  }
0x33: {  	v4 =	vpop (erf)  }
0x34: {  	v2 =	vadd.f32 $1.000000000e+00, v2;
	v5 =	vpop (erf)  }
0x35: {  	v4 =	vadd.f32 $1.000000000e+00, v4;
	v6 =	vpop (erf)  }
0x36: {  	(erf) = vrcp.f32 v2;
	v2 =	vadd.f32 $1.000000000e+00, v6  }
0x37: {  	(erf) = vrcp.f32 v4  }
0x38: {  	(erf) = vrcp.f32 v2;
	_ =	sdelay $0x5  }
0x39: {  	[tilespmem:s17+$0x1880] =	vst v3;
	v0 =	vmin.f32 v0, v3  }
0x3a: {  	v1 =	vmax.f32 v1, v3;
	[tilespmem:s16+$0x1880] =	vst v5;
	v0 =	vmin.f32 v0, v5;
	v2 =	vpop (erf)  }
0x3b: {  	v1 =	vmax.f32 v1, v5;
	[tilespmem:s18+$0x1880] =	vst v2;
	v0 =	vmin.f32 v0, v2;
	v3 =	vpop (erf)  }
0x3c: {  	v1 =	vmax.f32 v1, v2;
	[tilespmem:s19+$0x1880] =	vst v3;
	v0 =	vmin.f32 v0, v3;
	v2 =	vpop (erf)  }
0x3d: {  	v1 =	vmax.f32 v1, v3;
	[tilespmem:s20+$0x1880] =	vst v2;
	v0 =	vmin.f32 v0, v2  }
0x3e: {  	v1 =	vmax.f32 v1, v2;
	[tilespmem:$0x3100] =	vst v0  }
0x3f: {  	[tilespmem:$0x3180] =	vst v1  }
0x40: {  	[spmem:s6] =	stream.linear.scatter [tilespmem:s11], [sflag:$0x1], $0x10, $0x38;
	[tilespmem:$0x3420] =	vst v63  }
0x41: {  	_ =	swait.ge [sflag:s10], $0x10  }
0x42: {  	[sflag:s10] =	ssyncset.done $0x0  }
0x43: {  	[sflag:s10] =	ssyncadd.s32 $0xFFFFFFF0  }
0x44: {  	[spmem:s7] =	stream.linear.scatter [tilespmem:s12], [sflag:$0x1], $0x10, $0x38;
	[tilespmem:$0x3420] =	vst v63  }
0x45: {  	_ =	swait.ge [sflag:s10], $0x10  }
0x46: {  	[sflag:s10] =	ssyncset.done $0x0  }
0x47: {  	[sflag:s10] =	ssyncadd.s32 $0xFFFFFFF0  }
0x48: {  	[bflag:$0x0] =	sbarrier.arrive $0xFFFF  }
0x49: {  	[tilespmem:s13], [sflag:$0x1] =	stream.linear.gather [spmem:s2], $0x100, $0x38;
	[tilespmem:$0x3420] =	vst v63  }
0x4a: {  	_ =	swait.ge [sflag:s10], $0x100  }
0x4b: {  	[sflag:s10] =	ssyncset.done $0x0  }
0x4c: {  	[sflag:s10] =	ssyncadd.s32 $0xFFFFFF00  }
0x4d: {  	[tilespmem:s14], [sflag:$0x1] =	stream.linear.gather [spmem:s3], $0x100, $0x38;
	[tilespmem:$0x3420] =	vst v63  }
0x4e: {  	_ =	swait.ge [sflag:s10], $0x100  }
0x4f: {  	[sflag:s10] =	ssyncset.done $0x0  }
0x50: {  	[sflag:s10] =	ssyncadd.s32 $0xFFFFFF00  }
0x51: {  	v0 =	vld [tilespmem:$0x3200]  }
0x52: {  	v1 =	vld [tilespmem:$0x3300]  }
0x53: {  	v2 =	vld [tilespmem:$0x3210]  }
0x54: {  	v3 =	vld [tilespmem:$0x3310]  }
0x55: {  	v53 =	vld [tilespmem:$0x3220]  }
0x56: {  	v54 =	vld [tilespmem:$0x3320]  }
0x57: {  	v55 =	vld [tilespmem:$0x3230]  }
0x58: {  	v7 =	vld [tilespmem:$0x3330]  }
0x59: {  	v8 =	vld [tilespmem:$0x3240]  }
0x5a: {  	v9 =	vld [tilespmem:$0x3340]  }
0x5b: {  	v10 =	vld [tilespmem:$0x3250]  }
0x5c: {  	v11 =	vld [tilespmem:$0x3350]  }
0x5d: {  	v12 =	vld [tilespmem:$0x3260]  }
0x5e: {  	v13 =	vld [tilespmem:$0x3360]  }
0x5f: {  	v14 =	vld [tilespmem:$0x3270]  }
0x60: {  	v15 =	vld [tilespmem:$0x3370]  }
0x61: {  	v16 =	vld [tilespmem:$0x3280]  }
0x62: {  	v17 =	vld [tilespmem:$0x3380]  }
0x63: {  	v18 =	vld [tilespmem:$0x3290]  }
0x64: {  	v19 =	vld [tilespmem:$0x3390]  }
0x65: {  	v20 =	vld [tilespmem:$0x32A0]  }
0x66: {  	v56 =	vld [tilespmem:$0x33B0];
	v0 =	vmin.f32 v0, v2  }
0x67: {  	v57 =	vld [tilespmem:$0x32C0];
	v1 =	vmax.f32 v1, v3;
	v0 =	vmin.f32 v0, v53  }
0x68: {  	v58 =	vld [tilespmem:$0x33C0];
	v1 =	vmax.f32 v1, v54;
	v0 =	vmin.f32 v0, v55  }
0x69: {  	v59 =	vld [tilespmem:$0x32D0];
	v1 =	vmax.f32 v1, v7;
	v0 =	vmin.f32 v0, v8  }
0x6a: {  	v2 =	vld [tilespmem:$0x33A0];
	v1 =	vmax.f32 v1, v9;
	v0 =	vmin.f32 v0, v10  }
0x6b: {  	v3 =	vld [tilespmem:$0x32B0];
	v1 =	vmax.f32 v1, v11;
	v0 =	vmin.f32 v0, v12  }
0x6c: {  	v60 =	vld [tilespmem:$0x33D0];
	v1 =	vmax.f32 v1, v13;
	v0 =	vmin.f32 v0, v14  }
0x6d: {  	v61 =	vld [tilespmem:$0x32E0];
	v1 =	vmax.f32 v1, v15;
	v0 =	vmin.f32 v0, v16  }
0x6e: {  	v62 =	vld [tilespmem:$0x33E0];
	v1 =	vmax.f32 v1, v17;
	v0 =	vmin.f32 v0, v18  }
0x6f: {  	v63 =	vld [tilespmem:$0x32F0];
	v1 =	vmax.f32 v1, v19;
	v0 =	vmin.f32 v0, v20  }
0x70: {  	v1 =	vmax.f32 v1, v2;
	v2 =	vld [tilespmem:$0x33F0];
	v0 =	vmin.f32 v0, v3  }
0x71: {  	v1 =	vmax.f32 v1, v56;
	v0 =	vmin.f32 v0, v57  }
0x72: {  	v1 =	vmax.f32 v1, v58;
	v0 =	vmin.f32 v0, v59  }
0x73: {  	v1 =	vmax.f32 v1, v60;
	v0 =	vmin.f32 v0, v61  }
0x74: {  	v1 =	vmax.f32 v1, v62;
	v0 =	vmin.f32 v0, v63  }
0x75: {  	v1 =	vmax.f32 v1, v2;
	(xrf0) =	vmin.scan.msk.f32 $0xffff, v0  }
0x76: {  	(xrf0) =	vmax.scan.msk.f32 $0xffff, v1;
	_ =	sdelay $0x4  }
0x77: {  	v0, _, _ =	vpop (xrf0)  }
0x78: {  	v1, _, _ =	vpop (xrf0)  }
0x79: {  	v1 =	vsub.f32 v1, v0;
	_ =	sdelay $0x1  }
0x7a: {  	v1 =	vadd.f32 $9.999999930e-09, v1;
	_ =	sdelay $0x1  }
0x7b: {  	v1 =	vbroadcast v1, $0xF;
	_ =	sdelay $0x1  }
0x7c: {  	(erf) = vrcp.f32 v1;
	_ =	sdelay $0x8  }
0x7d: {  	s17 =	simm.s32 $0x40;
	s16 =	simm.s32 $0x0;
	v0 =	vbroadcast v0, $0xF;
	v1 =	vpop (erf)  }
.LBB2_4:
0x7e: {  	p1 =	sne.s32 s17, $0x6180;
	v2 =	vld [tilespmem:s16+$0x1880];
	_ =	sdelay $0x4  }
.Ltmp1:
0x7f: {  	v2 =	vsub.f32 v2, v0;
	(pc) =	sbr.rel @p1 .LBB2_4-.Ltmp1, $3  }
0x80: {  	_ = 	snop  }
0x81: {  	v2 =	vmul.f32 v2, v1;
	_ =	sdelay $0x1  }
0x82: {  	[tilespmem:s16+$0x1880] =	vst v2;
	s16 =	sshra.s32 s17, $0x2;
	s17 =	sadd.s32 $0x40, s17  }
0x83: {  	v2 =	vld [tilespmem:s16+$0x1880];
	_ =	sdelay $0x4  }
0x84: {  	v0 =	vsub.f32 v2, v0;
	_ =	sdelay $0x1  }
0x85: {  	v0 =	vmul.f32 v0, v1  }
0x86: {  	s15 =	sadd.s32 $0x1, s15  }
0x87: {  	s17 =	simm.s32 @!p0 $0x1880;
	p1 =	sne.s32 s15, s9;
	[tilespmem:s16+$0x1880] =	vst v0;
	s16 =	simm.s32 @!p0 $0x0  }
0x88: {  	[hbm4b:s8+s16] =	stream.linear.scatter @!p0 [tilespmem:s17], [sflag:$0x1], $0x1870, $0x38;
	[tilespmem:$0x3420] =	vst v63  }
.Ltmp2:
0x89: {  	_ = 	snop;
	(pc) =	sbr.rel @p1 .LBB2_1-.Ltmp2, $4  }
0x8a: {  	s16 =	simm.s32 @!p0 $0x1  }
0x8b: {  	_ =	swait.ge @!p0 [sflag:s16], $0x1870  }
0x8c: {  	[sflag:s16] =	ssyncset.done @!p0 $0x0  }
0x8d: {  	[sflag:s16] =	ssyncadd.s32 @!p0 $0xFFFFE790  }
0x8e: {  	_ =	sfence.sel $0x180000  }
0x8f: {  	[bflag:$0x0] =	sbarrier.arrive $0xFFFF  }
0x90: {  	p0 =	sne.s32 s1, $0x0;
	_ =	strace $0x90000047  }
0x91: {  	s0 =	sadd.s32 @!p0 $0x100000, s0;
	[bflag:$0x2] =	sbarrier.arrive $0xFFFF  }
0x92: {  	[sflag:s0] =	ssyncadd.tile.s32 @!p0 $0x1;
	_ =	shalt  }
.Lfunc_end2:
_tile_overlayer_lowered:
.L_overlay_start_2:
0x93: {  	(tag) =	ssettag $0x2  }
0x94: {  	s0 =	rddreg [dreg:$0x0];
	s2 =	stileid.u32  }
0x95: {  	s1 =	rddreg [dreg:$0x1];
	p0 =	sne.s32 s2, $0x0  }
0x96: {  	s3 =	rddreg [dreg:$0x2];
	[bflag:$0x3] =	sbarrier.arrive $0xFFFF;
	s2 =	simm.s32 @!p0 $0x1C01  }
0x97: {  	[timem:s3], [sflag:s2] =	dma.local @!p0 [hbm:s0], s1  }
0x98: {  	s0 =	simm.s32 @!p0 $0x1  }
0x99: {  	_ =	swait.ge @!p0 [sflag:s0], s1  }
0x9a: {  	s1 =	ssub.s32 @!p0 $0x0, s1;
	[sflag:s0] =	ssyncset.done @!p0 $0x0  }
0x9b: {  	[sflag:s0] =	ssyncadd.s32 @!p0 s1  }
0x9c: {  	[bflag:$0x3] =	sbarrier.arrive $0xFFFF  }
0x9d: {  	_ =	shalt  }

// kernel: kernel.7.cloned.1.call-start
scs
__scs_entry_jumppad:
0x0: {  	(pc) =	sbr.rel $0x88, $3  }
0x1: {  	(tag) =	ssettag $0x0;
	lr =	simm.s32 $0x1  }
0x2: {  	[smem:$0x3F9F] =	sst lr;
	_ =	strace $0xD0000000  }
0x3: {  	_ = 	snop  }
0x4: {  	_ = 	snop  }
0x5: {  	_ = 	snop  }
0x6: {  	_ = 	snop  }
0x7: {  	_ = 	snop  }
__scs_overlays_trampoline_lowered:
0x8: {  	[smem:$0x3FAE] =	sst s0  }
0x9: {  	[smem:$0x3FAF] =	sst s1  }
0xa: {  	[smem:$0x3FB0] =	sst s2  }
0xb: {  	[smem:$0x3FB1] =	sst s3  }
0xc: {  	[smem:$0x3FB2] =	sst s4  }
0xd: {  	[smem:$0x3FB3] =	sst s5  }
0xe: {  	[smem:$0x3FB4] =	sst s6  }
0xf: {  	[smem:$0x3FB5] =	sst s7  }
0x10: {  	[smem:$0x3FB6] =	sst s8  }
0x11: {  	[smem:$0x3FB7] =	sst s9;
	s0 =	simm.s32 @!p0 $0x0  }
0x12: {  	s1 =	sld [smem:$0x3F9D];
	s0 =	simm.s32 @p0 $0x1  }
0x13: {  	[smem:$0x3FB8] =	sst s0;
	s0 =	simm.s32 @!p1 $0x0  }
0x14: {  	s2 =	sld [smem:$0x3F9C];
	s0 =	simm.s32 @p1 $0x1  }
0x15: {  	[smem:$0x3FB9] =	sst s0;
	s0 =	simm.s32 @!p2 $0x0  }
0x16: {  	s3 =	sld [smem:$0x3FDB];
	s0 =	simm.s32 @p2 $0x1  }
0x17: {  	s4 =	simm.s32 $0x1BF5;
	[smem:$0x3FBB] =	sst s0  }
0x18: {  	s0 =	sld [smem:$0x3F9E];
	_ =	swait.ge [sflag:s4], $0x0  }
0x19: {  	s7 =	sld [smem:$0x3F9F]  }
0x1a: {  	s8 =	sadd.s32 $0xFFFFE003, lr  }
0x1b: {  	s9 =	sadd.s32 $0xFFFFFEF7, lr;
	s5 =	simm.s32 $0xFFFFFFFF;
	p2 =	slt.u32 s8, $0xFFFFF086  }
0x1c: {  	p1 =	slt.u32 s9, $0xF7A;
	s5 =	simm.s32 @!p2 $0x0  }
0x1d: {  	s5 =	simm.s32 @p1 $0x1;
	p0 =	seq.s32 s7, s2  }
0x1e: {  	s7 =	smul.u32 @!p0 $0xF7A, s2;
	p2 =	seq.s32 @!p0 s5, $0x0  }
0x1f: {  	s9 =	smul.u32 $0xF7A, s1;
	s8 =	simm.s32 @!p0 $0x1BF5;
	p2 =	por !p2, p0  }
0x20: {  	[sflag:s8] =	ssyncset.s32 @!p0 $0xFFFFF086;
	s6 =	sadd.s32 @!p0 s3, s7;
	s7 =	simm.s32 @!p0 $0x108  }
0x21: {  	s3 =	sadd.s32 s3, s9;
	s6 =	sadd.s32 @!p0 $0x88, s6;
	s7 =	simm.s32 @p2 $0x1082  }
0x22: {  	[simem:s7], [sflag:s8] =	dma.local @!p0 [hbm:s6], $0xF7A  }
0x23: {  	s9 =	sor.u32 $0xD0000000, s2;
	s6 =	simm.s32 $0x108;
	_ =	swait.ge @!p0 [sflag:s8], $0x0  }
0x24: {  	s3 =	sadd.s32 $0x88, s3;
	s6 =	simm.s32 @!p1 $0x1082;
	[sflag:s4] =	ssyncset.s32 $0xFFFFF086  }
0x25: {  	[simem:s6], [sflag:s4] =	dma.local [hbm:s3], $0xF7A  }
0x26: {  	[smem:$0x3F9F] =	sst s1;
	(tag) =	ssettag s2;
	_ =	strace s9  }
0x27: {  	s1 =	sld [smem:$0x3FAF]  }
0x28: {  	s2 =	sld [smem:$0x3FB0]  }
0x29: {  	s4 =	sld [smem:$0x3FB2]  }
0x2a: {  	p0 =	seq.s32 s5, $0x0;
	s5 =	sld [smem:$0x3FB3]  }
0x2b: {  	s6 =	sld [smem:$0x3FB4]  }
0x2c: {  	s7 =	sld [smem:$0x3FB5]  }
0x2d: {  	s3 =	simm.s32 $0x108;
	s8 =	sld [smem:$0x3FB6]  }
0x2e: {  	s3 =	simm.s32 @!p0 $0x1082;
	s9 =	sld [smem:$0x3FB7]  }
0x2f: {  	lr =	sadd.s32 s0, s3;
	s0 =	sld [smem:$0x3FAE]  }
0x30: {  	s3 =	sld [smem:$0x3FB1]  }
0x31: {  	[smem:$0x3FBA] =	sst s10  }
0x32: {  	s10 =	sld [smem:$0x3FB8];
	_ =	sdelay $0x3  }
0x33: {  	p0 =	seq.s32 s10, $0x1;
	s10 =	sld [smem:$0x3FBA];
	_ =	sdelay $0x3  }
0x34: {  	[smem:$0x3FBA] =	sst s10  }
0x35: {  	s10 =	sld [smem:$0x3FB9];
	_ =	sdelay $0x3  }
0x36: {  	p1 =	seq.s32 s10, $0x1;
	s10 =	sld [smem:$0x3FBA];
	_ =	sdelay $0x3  }
0x37: {  	[smem:$0x3FBA] =	sst s10  }
0x38: {  	s10 =	sld [smem:$0x3FBB]  }
0x39: {  	_ = 	snop;
	(pc) =	sbr.ind lr, $3  }
0x3a: {  	_ = 	snop  }
0x3b: {  	_ = 	snop  }
0x3c: {  	p2 =	seq.s32 s10, $0x1;
	s10 =	sld [smem:$0x3FBA]  }
0x3d: {  	_ =	shalt  }
0x3e: {  	_ =	shalt  }
0x3f: {  	_ =	shalt  }
0x40: {  	_ =	shalt  }
0x41: {  	_ =	shalt  }
0x42: {  	_ =	shalt  }
0x43: {  	_ =	shalt  }
0x44: {  	_ =	shalt  }
0x45: {  	_ =	shalt  }
0x46: {  	_ =	shalt  }
0x47: {  	_ =	shalt  }
0x48: {  	_ =	shalt  }
0x49: {  	_ =	shalt  }
0x4a: {  	_ =	shalt  }
0x4b: {  	_ =	shalt  }
0x4c: {  	_ =	shalt  }
0x4d: {  	_ =	shalt  }
0x4e: {  	_ =	shalt  }
0x4f: {  	_ =	shalt  }
0x50: {  	_ =	shalt  }
0x51: {  	_ =	shalt  }
0x52: {  	_ =	shalt  }
0x53: {  	_ =	shalt  }
0x54: {  	_ =	shalt  }
0x55: {  	_ =	shalt  }
0x56: {  	_ =	shalt  }
0x57: {  	_ =	shalt  }
0x58: {  	_ =	shalt  }
0x59: {  	_ =	shalt  }
0x5a: {  	_ =	shalt  }
0x5b: {  	_ =	shalt  }
0x5c: {  	_ =	shalt  }
0x5d: {  	_ =	shalt  }
0x5e: {  	_ =	shalt  }
0x5f: {  	_ =	shalt  }
0x60: {  	_ =	shalt  }
0x61: {  	_ =	shalt  }
0x62: {  	_ =	shalt  }
0x63: {  	_ =	shalt  }
0x64: {  	_ =	shalt  }
0x65: {  	_ =	shalt  }
0x66: {  	_ =	shalt  }
0x67: {  	_ =	shalt  }
0x68: {  	_ =	shalt  }
0x69: {  	_ =	shalt  }
0x6a: {  	_ =	shalt  }
0x6b: {  	_ =	shalt  }
0x6c: {  	_ =	shalt  }
0x6d: {  	_ =	shalt  }
0x6e: {  	_ =	shalt  }
0x6f: {  	_ =	shalt  }
0x70: {  	_ =	shalt  }
0x71: {  	_ =	shalt  }
0x72: {  	_ =	shalt  }
0x73: {  	_ =	shalt  }
0x74: {  	_ =	shalt  }
0x75: {  	_ =	shalt  }
0x76: {  	_ =	shalt  }
0x77: {  	_ =	shalt  }
0x78: {  	_ =	shalt  }
0x79: {  	_ =	shalt  }
0x7a: {  	_ =	shalt  }
0x7b: {  	_ =	shalt  }
0x7c: {  	_ =	shalt  }
0x7d: {  	_ =	shalt  }
0x7e: {  	_ =	shalt  }
0x7f: {  	_ =	shalt  }
0x80: {  	_ =	shalt  }
0x81: {  	_ =	shalt  }
0x82: {  	_ =	shalt  }
0x83: {  	_ =	shalt  }
0x84: {  	_ =	shalt  }
0x85: {  	_ =	shalt  }
0x86: {  	_ =	shalt  }
0x87: {  	_ =	shalt  }
.Lfunc_end0:
.L_simem_size_0:
called_computation.1_lowered:
.L_overlay_start_0:
0x88: {  	s2 =	sld [smem:$0x3FD9]  }
0x89: {  	s3 =	sld [smem:$0x3FFE];
	_ =	sdelay $0x1  }
0x8a: {  	s1 =	srdreg.scid  }
0x8b: {  	s0 =	sand.u32 $0x1, s1  }
0x8c: {  	s17 =	sshll.u32 s0, $0xA;
	s2 =	sadd.s32 s3, s2  }
0x8d: {  	s2 =	sadd.s32 s2, s17  }
0x8e: {  	[smem:$0x3FC6] =	sst s2  }
0x8f: {  	_ = 	snop  }
0x90: {  	s2 =	sld [smem:$0x3FD0];
	(tm) =	ssettm $0x1  }
0x91: {  	s18 =	sld [smem:$0x3FFB];
	_ =	sdelay $0x3  }
0x92: {  	_ =	strace s18  }
0x93: {  	s3 =	sld [smem:$0x3FFC];
	_ =	sdelay $0x3  }
0x94: {  	_ =	strace s3  }
0x95: {  	s3 =	sld [smem:$0x3FFD];
	_ =	sdelay $0x3  }
0x96: {  	_ =	strace s3  }
0x97: {  	_ =	strace $0x8FFFFFFF  }
0x98: {  	s19 =	sld [smem:$0x3FDB];
	_ =	sdelay $0x1  }
0x99: {  	s4 =	simm.s32 $_scs_section_size  }
0x9a: {  	s5 =	simm.s32 $_size__tile_overlayer_lowered;
	s6 =	simm.s32 $_tile_overlayer_lowered  }
0x9b: {  	s22 =	simm.s32 $0x1BFF;
	s21 =	sshll.u32 s6, $0x1;
	s3 =	sadd.s32 s4, s19  }
0x9c: {  	s7 =	simm.s32 $0x0;
	s20 =	sshll.u32 s5, $0x1;
	s5 =	sadd.s32 s21, s3  }
0x9d: {  	[timem:s7], [sflag:s22] =	dma.local [hbm:s5], s20  }
0x9e: {  	_ =	swait.ge [sflag:s22], s20  }
0x9f: {  	s4 =	ssub.s32 $0x0, s20;
	[sflag:s22] =	ssyncset.done $0x0  }
0xa0: {  	[sflag:s22] =	ssyncadd.s32 s4;
	_ =	sdelay $0x1  }
0xa1: {  	s23 =	simm.s32 $0x1B8B  }
0xa2: {  	_ =	swait.ge [sflag:s23], $0x1  }
0xa3: {  	[sflag:s23] =	ssyncset.done $0x0  }
0xa4: {  	s25 =	simm.s32 $0x1B8E;
	s24 =	sld [smem:$0x3FFE];
	[sflag:s23] =	ssyncadd.s32 $0xFFFFFFFF  }
0xa5: {  	s26 =	simm.s32 $execute0_lowered;
	[smem:$0x3FD2] =	sst s25  }
0xa6: {  	s5 =	sshll.u32 s26, $0x1;
	_ =	strace $0x80000049;
	[dreg:$0x1] =	wrdreg $0xFFFFFFFF  }
0xa7: {  	s28 =	simm.s32 $_size_execute0_lowered;
	s3 =	sadd.s32 s3, s5;
	[dreg:$0x0] =	wrdreg $0x0  }
0xa8: {  	s5 =	sshll.u32 s28, $0x1;
	[dreg:$0x2] =	wrdreg s3  }
0xa9: {  	[dreg:$0x3] =	wrdreg s5  }
0xaa: {  	[dreg:$0x4] =	wrdreg $0xC0  }
0xab: {  	_ =	task [dreg:s7], $0x5FFFF  }
0xac: {  	[dreg:$0x1] =	wrdreg $0xFFFFFFFF  }
0xad: {  	[dreg:$0x0] =	wrdreg $0x60  }
0xae: {  	[dreg:$0x2] =	wrdreg s24  }
0xaf: {  	[dreg:$0x3] =	wrdreg s2  }
0xb0: {  	[dreg:$0x4] =	wrdreg $0x9  }
0xb1: {  	_ =	task.clear_ibuf [dreg:s7], $0x5FFFF;
	_ =	strace $0x90000049  }
0xb2: {  	s29 =	simm.s32 $0x9;
	_ =	strace $0x8000004B  }
0xb3: {  	_ =	swait.ge [sflag:s29], $0x1  }
0xb4: {  	[sflag:s29] =	ssyncadd.s32 $0xFFFFFFFF  }
0xb5: {  	_ =	strace $0x9000004B  }
0xb6: {  	_ =	sfence  }
0xb7: {  	s30 =	sld [smem:$0x0];
	_ =	sdelay $0x2  }
0xb8: {  	s31 =	sshll.u32 s1, $0xD;
	s1 =	sshrl.u32 s1, $0x2  }
0xb9: {  	s3 =	sand.u32 $0x4000, s31;
	s1 =	sadd.s32 s1, s30  }
0xba: {  	s0 =	sor.u32 s3, s0;
	s1 =	sshll.u32 s1, $0x11  }
0xbb: {  	s0 =	sor.u32 s1, s0  }
0xbc: {  	s0 =	sadd.s32 $0x8F2B, s0  }
0xbd: {  	[sflag:s0] =	ssyncadd.remote.s32 $0x1  }
0xbe: {  	_ =	sfence.sel $0xFFFF  }
0xbf: {  	[dreg:$0x0] =	wrdreg $0xFFFFFFFF;
	(pc) =	sbr.abs _section_cstart, $3  }
0xc0: {  	[dreg:$0x1] =	wrdreg $0xFFFFFFFF  }
0xc1: {  	_ =	task.clear_ibuf [dreg:s7], $0x2FFFF;
	_ =	strace $0x9FFFFFFF  }
0xc2: {  	(tm) =	ssettm $0x7FFFFFFF  }
0xc3: {  	_ =	shalt  }
tec
execute0_lowered:
.L_overlay_start_1:
0x0: {  	(tag) =	ssettag $0x1  }
0x1: {  	s5 =	rddreg [dreg:$0x0]  }
0x2: {  	s1 =	rddreg [dreg:$0x1];
	s3 =	srdreg.scid  }
0x3: {  	s15 =	stileid.u32;
	s2 =	simm.s32 $0x0;
	s10 =	simm.s32 $0x5  }
0x4: {  	s11 =	simm.s32 $0x1;
	s12 =	simm.s32 $0x1D700;
	s13 =	simm.s32 $0x2  }
0x5: {  	s14 =	simm.s32 $0x1EB00;
	s16 =	simm.s32 $0x0;
	s3 =	sand.u32 $0x1, s3  }
0x6: {  	s4 =	sshll.u32 s15, $0x1;
	[smem:$0x7FF] =	sst s2;
	s0 =	sadd.s32 $0x400, s5  }
.Ltmp0:
0x7: {  	s6 =	ssub.s32 $0x2, s3;
	s3 =	sor.u32 s3, s4;
	(pc) =	sbr.rel .LBB2_1-.Ltmp0, $4  }
0x8: {  	s5 =	sadd.s32 $0x3600, s5;
	p0 =	sne.s32 s15, $0x0;
	s8 =	smul.u32 $0x500, s3  }
0x9: {  	s15 =	simm.s32 $0x3;
	_ =	strace $0x8000004A;
	s7 =	sshrl.u32 s6, $0x1  }
0xa: {  	[dreg:$0x3] =	wrdreg s0;
	s9 =	ssub.s32 s6, s7;
	s31 =	sadd.s32 s5, s8  }
0xb: {  	s7 =	sor.u32 $0x40, s3;
	s8 =	smax.u32 s9, $0x1;
	[dreg:$0x4] =	wrdreg s31  }
.LBB2_9:
0xc: {  	s16 =	sadd.s32 $0x1, s16  }
0xd: {  	_ =	swait.ge [sflag:s15], $0x1400;
	p1 =	sne.s32 s16, s8  }
.Ltmp1:
0xe: {  	[sflag:s15] =	ssyncset.done $0x0;
	(pc) =	sbr.rel @!p1 .LBB2_10-.Ltmp1, $4  }
0xf: {  	s0 =	simm.s32 @!p0 $0x4;
	[sflag:s15] =	ssyncadd.s32 $0xFFFFEC00  }
0x10: {  	_ =	swait.ge @!p0 [sflag:s0], $0x1400  }
0x11: {  	[sflag:s0] =	ssyncset.done @!p0 $0x0  }
0x12: {  	[sflag:s0] =	ssyncadd.s32 @!p0 $0xFFFFEC00  }
.LBB2_1:
0x13: {  	s0 =	rddreg [dreg:$0x4];
	s4 =	simm.s32 $0x18700  }
0x14: {  	[tilespmem:s4], [sflag:$0x1] =	stream.linear.gather [hbm4b:s0+s2], $0x2800, $0x38;
	[tilespmem:$0x1FF00] =	vst v63  }
.Ltmp2:
0x15: {  	s31 =	rddreg [dreg:$0x3];
	(pc) =	sbr.rel .LBB2_2-.Ltmp2, $4  }
0x16: {  	[tilespmem:s2], [sflag:$0x5] =	stream.linear.gather [hbm4b:s31+s2], $0x18700, $0x38;
	[tilespmem:$0x1FF00] =	vst v63  }
0x17: {  	_ =	swait.ge [sflag:s10], $0x18700  }
0x18: {  	[sflag:s10] =	ssyncset.done $0x0  }
0x19: {  	s17 =	simm.s32 $0x0;
	[sflag:s10] =	ssyncadd.s32 $0xFFFE7900  }
.LBB2_8:
0x1a: {  	s17 =	sadd.s32 $0x1, s17  }
0x1b: {  	p1 =	sne.s32 s17, $0x14  }
.Ltmp3:
0x1c: {  	_ = 	snop;
	(pc) =	sbr.rel @!p1 .LBB2_9-.Ltmp3, $1  }
0x1d: {  	_ =	sdelay $0x3  }
.LBB2_2:
0x1e: {  	s19 =	sshll.u32 s17, $0x6  }
0x1f: {  	s20 =	sor.u32 s19, s3  }
0x20: {  	s18 =	sor.u32 $0x20, s20  }
0x21: {  	p1 =	sgt.u32 s18, $0x4E1  }
0x22: {  	s21 =	smul.u32 @!p1 $0x500, s18  }
0x23: {  	p2 =	seq.s32 s17, $0x0  }
0x24: {  	s22 =	simm.s32 @!p1 $0x0;
	s23 =	simm.s32 @!p1 $0x1AF00;
	s21 =	sadd.s32 @!p1 s5, s21  }
0x25: {  	[tilespmem:s23], [sflag:$0x2] =	stream.linear.gather @!p1 [hbm4b:s21+s22], $0x2800, $0x38;
	[tilespmem:$0x1FF00] =	vst v63  }
0x26: {  	s21 =	simm.s32 @!p2 $0x3  }
0x27: {  	_ =	swait.ge @!p2 [sflag:s21], $0x1400  }
0x28: {  	[sflag:s21] =	ssyncset.done @!p2 $0x0  }
0x29: {  	s30 =	simm.s32 $0x0;
	s26 =	simm.s32 $0x0;
	[sflag:s21] =	ssyncadd.s32 @!p2 $0xFFFFEC00  }
0x2a: {  	s31 =	sand.u32 $0x40, s26;
	s21 =	sand.u32 $0x3F00, s30;
	_ =	swait.ge [sflag:s11], $0x2800  }
0x2b: {  	s28 =	sor.u32 $0x20, s31;
	s21 =	sadd.s32 $0x18700, s21;
	[sflag:s11] =	ssyncset.done $0x0  }
0x2c: {  	s0 =	sor.u32 s28, s21;
	[sflag:s11] =	ssyncadd.s32 $0xFFFFD800  }
0x2d: {  	s29 =	sor.u32 $0x30, s31;
	v0 =	vld [tilespmem:s0+$0x0]  }
0x2e: {  	s30 =	sor.u32 $0x10, s31;
	s4 =	sor.u32 s29, s21;
	v1 =	vld [tilespmem:s0+$0x80]  }
0x2f: {  	s24 =	sor.u32 s30, s21;
	s21 =	sor.u32 s31, s21;
	v2 =	vld [tilespmem:s4+$0x0]  }
0x30: {  	v6 =	vld [tilespmem:s21+$0x0]  }
0x31: {  	s22 =	simm.s32 $0x80;
	v7 =	vld [tilespmem:s21+$0x80];
	s21 =	simm.s32 $0x40  }
0x32: {  	s6 =	sand.u32 $0x3F00, s22;
	v3 =	vld [tilespmem:s4+$0x80];
	s31 =	sand.u32 $0x40, s21  }
0x33: {  	v4 =	vld [tilespmem:s24+$0x0];
	s0 =	sadd.s32 $0x18700, s6;
	s25 =	sor.u32 $0x20, s31  }
0x34: {  	v5 =	vld [tilespmem:s24+$0x80];
	s9 =	sor.u32 s25, s0  }
0x35: {  	s23 =	sor.u32 $0x30, s31;
	v12 =	vld [tilespmem:s9+$0x0]  }
0x36: {  	v13 =	vld [tilespmem:s9+$0x80];
	s9 =	sor.u32 s23, s0  }
0x37: {  	v14 =	vld [tilespmem:s9+$0x0]  }
0x38: {  	v15 =	vld [tilespmem:s9+$0x80]  }
0x39: {  	v8 =	vld.idx.msk [tilespmem:v0+s2+$0x0], $0xffff  }
0x3a: {  	v1 =	vld.idx.msk [tilespmem:v1+s2+$0x0], $0xffff  }
0x3b: {  	v9 =	vld.idx.msk [tilespmem:v2+s2+$0x0], $0xffff  }
0x3c: {  	v10 =	vld.idx.msk [tilespmem:v3+s2+$0x0], $0xffff  }
0x3d: {  	v11 =	vld.idx.msk [tilespmem:v4+s2+$0x0], $0xffff  }
0x3e: {  	v6 =	vld.idx.msk [tilespmem:v6+s2+$0x0], $0xffff  }
0x3f: {  	s24 =	sor.u32 $0x10, s31;
	v7 =	vld.idx.msk [tilespmem:v7+s2+$0x0], $0xffff  }
0x40: {  	s4 =	sor.u32 s24, s0;
	v5 =	vld.idx.msk [tilespmem:v5+s2+$0x0], $0xffff  }
0x41: {  	v2 =	vld [tilespmem:s4+$0x0]  }
0x42: {  	s26 =	sand.u32 $0x1F80, s26;
	s0 =	sor.u32 s31, s0;
	v0 =	vld [tilespmem:s4+$0x80]  }
0x43: {  	s6 =	sadd.s32 $0x1D700, s26;
	v3 =	vld [tilespmem:s0+$0x0];
	v1 =	vmul.f32 v1, v8  }
0x44: {  	s9 =	sor.u32 s28, s6;
	v4 =	vld [tilespmem:s0+$0x80];
	v7 =	vmul.f32 v7, v6  }
0x45: {  	s26 =	simm.s32 $0x1D700;
	v8 =	vmul.f32 v10, v9;
	v6 =	vld.idx.msk [tilespmem:v13+s2+$0x0], $0xffff;
	[tilespmem:s9+$0x0] =	vst v1  }
0x46: {  	s29 =	sor.u32 s29, s6;
	v63 =	vmul.f32 v5, v11;
	v5 =	vld.idx.msk [tilespmem:v14+s2+$0x0], $0xffff;
	[tilespmem:s26+$0x0] =	vst v7  }
0x47: {  	s31 =	sor.u32 s30, s6;
	v1 =	vld.idx.msk [tilespmem:v12+s2+$0x0], $0xffff;
	[tilespmem:s29+$0x0] =	vst v8  }
0x48: {  	s28 =	simm.s32 $0x40;
	v7 =	vld.idx.msk [tilespmem:v15+s2+$0x0], $0xffff;
	[tilespmem:s31+$0x0] =	vst v63  }
.LBB2_3:
0x49: {  	s21 =	sadd.s32 $0x40, s21;
	v2 =	vld.idx.msk [tilespmem:v2+s2+$0x0], $0xffff;
	s22 =	sadd.s32 $0x80, s22  }
0x4a: {  	s0 =	sand.u32 $0x40, s21;
	s4 =	sand.u32 $0x3F00, s22;
	v0 =	vld.idx.msk [tilespmem:v0+s2+$0x0], $0xffff  }
0x4b: {  	s4 =	sadd.s32 $0x18700, s4;
	s9 =	sor.u32 $0x10, s0;
	s29 =	sor.u32 $0x20, s0;
	v3 =	vld.idx.msk [tilespmem:v3+s2+$0x0], $0xffff  }
0x4c: {  	s28 =	sand.u32 $0x1F80, s28;
	s30 =	sor.u32 s9, s4;
	s31 =	sor.u32 s29, s4;
	v4 =	vld.idx.msk [tilespmem:v4+s2+$0x0], $0xffff  }
0x4d: {  	s28 =	sadd.s32 $0x1D700, s28;
	v1 =	vmul.f32 v6, v1;
	s6 =	sor.u32 s0, s4;
	s0 =	sor.u32 $0x30, s0;
	v8 =	vld [tilespmem:s31+$0x0]  }
0x4e: {  	s4 =	sor.u32 s0, s4;
	v5 =	vmul.f32 v7, v5;
	v6 =	vld [tilespmem:s31+$0x80];
	s31 =	sor.u32 s24, s28;
	s24 =	sor.u32 s25, s28  }
0x4f: {  	p3 =	slt.u32 s21, $0x13C0;
	s23 =	sor.u32 s23, s28;
	s28 =	smov.u32 s21;
	v7 =	vld [tilespmem:s4+$0x0];
	[tilespmem:s24+$0x0] =	vst v1  }
0x50: {  	s25 =	smov.u32 s29;
	v10 =	vmul.f32 v0, v2;
	s24 =	smov.u32 s9;
	v9 =	vld [tilespmem:s4+$0x80];
	[tilespmem:s23+$0x0] =	vst v5;
	s23 =	smov.u32 s0  }
0x51: {  	v2 =	vld [tilespmem:s30+$0x0]  }
0x52: {  	v1 =	vmul.f32 v4, v3;
	v0 =	vld [tilespmem:s30+$0x80]  }
0x53: {  	s26 =	sadd.s32 $0x40, s26;
	v3 =	vld [tilespmem:s6+$0x0]  }
.Ltmp4:
0x54: {  	v4 =	vld [tilespmem:s6+$0x80];
	[tilespmem:s26+$0x0] =	vst v1;
	(pc) =	sbr.rel @p3 .LBB2_3-.Ltmp4, $4  }
0x55: {  	v1 =	vld.idx.msk [tilespmem:v8+s2+$0x0], $0xffff;
	[tilespmem:s31+$0x0] =	vst v10  }
0x56: {  	v6 =	vld.idx.msk [tilespmem:v6+s2+$0x0], $0xffff  }
0x57: {  	v5 =	vld.idx.msk [tilespmem:v7+s2+$0x0], $0xffff  }
0x58: {  	v7 =	vld.idx.msk [tilespmem:v9+s2+$0x0], $0xffff  }
0x59: {  	_ =	sdelay $0x3  }
0x5a: {  	v2 =	vld.idx.msk [tilespmem:v2+s2+$0x0], $0xffff  }
0x5b: {  	v3 =	vld.idx.msk [tilespmem:v3+s2+$0x0], $0xffff  }
0x5c: {  	v4 =	vld.idx.msk [tilespmem:v4+s2+$0x0], $0xffff  }
0x5d: {  	v0 =	vld.idx.msk [tilespmem:v0+s2+$0x0], $0xffff  }
0x5e: {  	s0 =	sand.u32 $0x1F80, s28  }
0x5f: {  	s0 =	sadd.s32 $0x1D700, s0;
	v1 =	vmul.f32 v6, v1  }
0x60: {  	s4 =	sor.u32 s25, s0;
	v5 =	vmul.f32 v7, v5  }
0x61: {  	s29 =	sor.u32 s23, s0;
	[tilespmem:s4+$0x0] =	vst v1;
	v63 =	vmul.f32 v4, v3  }
0x62: {  	s30 =	sadd.s32 $0x40, s26;
	s6 =	smul.u32 $0x280, s20;
	s9 =	sadd.s32 s7, s19;
	v0 =	vmul.f32 v0, v2;
	[tilespmem:s29+$0x0] =	vst v5  }
0x63: {  	p3 =	sgt.u32 s9, $0x4E1;
	s0 =	sor.u32 s24, s0;
	[tilespmem:s30+$0x0] =	vst v63  }
0x64: {  	s31 =	sadd.s32 s1, s6;
	s4 =	smul.u32 @!p3 $0x500, s9;
	[tilespmem:s0+$0x0] =	vst v0  }
0x65: {  	[hbm4b:s31+s2] =	stream.linear.scatter [tilespmem:s12], [sflag:$0x3], $0x1400, $0x38;
	[tilespmem:$0x1FF00] =	vst v63  }
0x66: {  	s6 =	simm.s32 @!p3 $0x18700;
	s0 =	sadd.s32 @!p3 s5, s4;
	s4 =	simm.s32 @!p3 $0x0  }
0x67: {  	[tilespmem:s6], [sflag:$0x1] =	stream.linear.gather @!p3 [hbm4b:s0+s4], $0x2800, $0x38;
	[tilespmem:$0x1FF00] =	vst v63  }
.Ltmp5:
0x68: {  	_ = 	snop;
	(pc) =	sbr.rel @p1 .LBB2_8-.Ltmp5, $4  }
0x69: {  	s0 =	simm.s32 @!p2 $0x4  }
0x6a: {  	_ =	swait.ge @!p2 [sflag:s0], $0x1400  }
0x6b: {  	[sflag:s0] =	ssyncset.done @!p2 $0x0  }
0x6c: {  	[sflag:s0] =	ssyncadd.s32 @!p2 $0xFFFFEC00  }
0x6d: {  	s0 =	simm.s32 $0x0;
	s4 =	simm.s32 $0x0  }
0x6e: {  	_ =	swait.ge [sflag:s13], $0x2800;
	s6 =	sand.u32 $0x40, s4;
	s0 =	sand.u32 $0x3F00, s0  }
0x6f: {  	[sflag:s13] =	ssyncset.done $0x0;
	s0 =	sadd.s32 $0x1AF00, s0;
	s9 =	sor.u32 $0x20, s6  }
0x70: {  	[sflag:s13] =	ssyncadd.s32 $0xFFFFD800;
	s19 =	sor.u32 s9, s0  }
0x71: {  	s24 =	sor.u32 $0x30, s6;
	v0 =	vld [tilespmem:s19+$0x0]  }
0x72: {  	s25 =	sor.u32 $0x10, s6;
	s30 =	sor.u32 s24, s0;
	v1 =	vld [tilespmem:s19+$0x80]  }
0x73: {  	s20 =	sor.u32 s25, s0;
	v2 =	vld [tilespmem:s30+$0x0]  }
0x74: {  	v4 =	vld [tilespmem:s20+$0x0]  }
0x75: {  	v5 =	vld [tilespmem:s20+$0x80];
	s19 =	simm.s32 $0x40;
	s20 =	simm.s32 $0x80  }
0x76: {  	s0 =	sor.u32 s6, s0;
	v3 =	vld [tilespmem:s30+$0x80];
	s31 =	sand.u32 $0x40, s19;
	s28 =	sand.u32 $0x3F00, s20  }
0x77: {  	v6 =	vld [tilespmem:s0+$0x0];
	s6 =	sadd.s32 $0x1AF00, s28;
	s23 =	sor.u32 $0x20, s31  }
0x78: {  	v7 =	vld [tilespmem:s0+$0x80];
	s22 =	sor.u32 s23, s6  }
0x79: {  	s21 =	sor.u32 $0x30, s31;
	v12 =	vld [tilespmem:s22+$0x0]  }
0x7a: {  	s26 =	sor.u32 s21, s6;
	v13 =	vld [tilespmem:s22+$0x80]  }
0x7b: {  	v14 =	vld [tilespmem:s26+$0x0]  }
0x7c: {  	v15 =	vld [tilespmem:s26+$0x80]  }
0x7d: {  	v8 =	vld.idx.msk [tilespmem:v0+s2+$0x0], $0xffff  }
0x7e: {  	v1 =	vld.idx.msk [tilespmem:v1+s2+$0x0], $0xffff  }
0x7f: {  	v9 =	vld.idx.msk [tilespmem:v2+s2+$0x0], $0xffff  }
0x80: {  	v10 =	vld.idx.msk [tilespmem:v3+s2+$0x0], $0xffff  }
0x81: {  	v11 =	vld.idx.msk [tilespmem:v4+s2+$0x0], $0xffff  }
0x82: {  	v6 =	vld.idx.msk [tilespmem:v6+s2+$0x0], $0xffff  }
0x83: {  	s22 =	sor.u32 $0x10, s31;
	v7 =	vld.idx.msk [tilespmem:v7+s2+$0x0], $0xffff  }
0x84: {  	s28 =	sor.u32 s22, s6;
	v5 =	vld.idx.msk [tilespmem:v5+s2+$0x0], $0xffff  }
0x85: {  	v2 =	vld [tilespmem:s28+$0x0]  }
0x86: {  	s4 =	sand.u32 $0x1F80, s4;
	s0 =	sor.u32 s31, s6;
	v0 =	vld [tilespmem:s28+$0x80]  }
0x87: {  	s4 =	sadd.s32 $0x1EB00, s4;
	v3 =	vld [tilespmem:s0+$0x0];
	v1 =	vmul.f32 v1, v8  }
0x88: {  	s29 =	sor.u32 s9, s4;
	v4 =	vld [tilespmem:s0+$0x80];
	v7 =	vmul.f32 v7, v6  }
0x89: {  	s30 =	sor.u32 s24, s4;
	s24 =	simm.s32 $0x1EB00;
	v8 =	vmul.f32 v10, v9;
	v6 =	vld.idx.msk [tilespmem:v13+s2+$0x0], $0xffff;
	[tilespmem:s29+$0x0] =	vst v1  }
0x8a: {  	v63 =	vmul.f32 v5, v11;
	v5 =	vld.idx.msk [tilespmem:v14+s2+$0x0], $0xffff;
	[tilespmem:s24+$0x0] =	vst v7  }
0x8b: {  	s31 =	sor.u32 s25, s4;
	v1 =	vld.idx.msk [tilespmem:v12+s2+$0x0], $0xffff;
	[tilespmem:s30+$0x0] =	vst v8  }
0x8c: {  	s25 =	simm.s32 $0x40;
	v7 =	vld.idx.msk [tilespmem:v15+s2+$0x0], $0xffff;
	[tilespmem:s31+$0x0] =	vst v63  }
.LBB2_6:
0x8d: {  	s19 =	sadd.s32 $0x40, s19;
	v2 =	vld.idx.msk [tilespmem:v2+s2+$0x0], $0xffff;
	s20 =	sadd.s32 $0x80, s20  }
0x8e: {  	s0 =	sand.u32 $0x40, s19;
	s4 =	sand.u32 $0x3F00, s20;
	v0 =	vld.idx.msk [tilespmem:v0+s2+$0x0], $0xffff  }
0x8f: {  	s4 =	sadd.s32 $0x1AF00, s4;
	s6 =	sor.u32 $0x10, s0;
	s9 =	sor.u32 $0x20, s0;
	v3 =	vld.idx.msk [tilespmem:v3+s2+$0x0], $0xffff  }
0x90: {  	s25 =	sand.u32 $0x1F80, s25;
	s26 =	sor.u32 s6, s4;
	s28 =	sor.u32 s9, s4;
	v4 =	vld.idx.msk [tilespmem:v4+s2+$0x0], $0xffff  }
0x91: {  	s25 =	sadd.s32 $0x1EB00, s25;
	v1 =	vmul.f32 v6, v1;
	s29 =	sor.u32 s0, s4;
	s0 =	sor.u32 $0x30, s0;
	v8 =	vld [tilespmem:s28+$0x0]  }
0x92: {  	s4 =	sor.u32 s0, s4;
	v5 =	vmul.f32 v7, v5;
	v6 =	vld [tilespmem:s28+$0x80];
	s28 =	sor.u32 s22, s25;
	s22 =	sor.u32 s23, s25  }
0x93: {  	p1 =	slt.u32 s19, $0x13C0;
	s21 =	sor.u32 s21, s25;
	s25 =	smov.u32 s19;
	v7 =	vld [tilespmem:s4+$0x0];
	[tilespmem:s22+$0x0] =	vst v1  }
0x94: {  	s23 =	smov.u32 s9;
	v10 =	vmul.f32 v0, v2;
	s22 =	smov.u32 s6;
	v9 =	vld [tilespmem:s4+$0x80];
	[tilespmem:s21+$0x0] =	vst v5;
	s21 =	smov.u32 s0  }
0x95: {  	v2 =	vld [tilespmem:s26+$0x0]  }
0x96: {  	v1 =	vmul.f32 v4, v3;
	v0 =	vld [tilespmem:s26+$0x80]  }
0x97: {  	s24 =	sadd.s32 $0x40, s24;
	v3 =	vld [tilespmem:s29+$0x0]  }
.Ltmp6:
0x98: {  	v4 =	vld [tilespmem:s29+$0x80];
	[tilespmem:s24+$0x0] =	vst v1;
	(pc) =	sbr.rel @p1 .LBB2_6-.Ltmp6, $4  }
0x99: {  	v1 =	vld.idx.msk [tilespmem:v8+s2+$0x0], $0xffff;
	[tilespmem:s28+$0x0] =	vst v10  }
0x9a: {  	v6 =	vld.idx.msk [tilespmem:v6+s2+$0x0], $0xffff  }
0x9b: {  	v5 =	vld.idx.msk [tilespmem:v7+s2+$0x0], $0xffff  }
0x9c: {  	v7 =	vld.idx.msk [tilespmem:v9+s2+$0x0], $0xffff  }
0x9d: {  	_ =	sdelay $0x3  }
0x9e: {  	v2 =	vld.idx.msk [tilespmem:v2+s2+$0x0], $0xffff  }
0x9f: {  	v3 =	vld.idx.msk [tilespmem:v3+s2+$0x0], $0xffff  }
0xa0: {  	v4 =	vld.idx.msk [tilespmem:v4+s2+$0x0], $0xffff  }
0xa1: {  	v0 =	vld.idx.msk [tilespmem:v0+s2+$0x0], $0xffff  }
0xa2: {  	s0 =	sand.u32 $0x1F80, s25  }
0xa3: {  	s0 =	sadd.s32 $0x1EB00, s0;
	v1 =	vmul.f32 v6, v1  }
0xa4: {  	s4 =	sor.u32 s23, s0;
	v5 =	vmul.f32 v7, v5  }
.Ltmp7:
0xa5: {  	s29 =	sor.u32 s21, s0;
	[tilespmem:s4+$0x0] =	vst v1;
	v63 =	vmul.f32 v4, v3;
	(pc) =	sbr.rel .LBB2_8-.Ltmp7, $4  }
0xa6: {  	s30 =	sadd.s32 $0x40, s24;
	s6 =	smul.u32 $0x280, s18;
	v0 =	vmul.f32 v0, v2;
	[tilespmem:s29+$0x0] =	vst v5  }
0xa7: {  	s0 =	sor.u32 s22, s0;
	[tilespmem:s30+$0x0] =	vst v63  }
0xa8: {  	s31 =	sadd.s32 s1, s6;
	[tilespmem:s0+$0x0] =	vst v0  }
0xa9: {  	[hbm4b:s31+s2] =	stream.linear.scatter [tilespmem:s14], [sflag:$0x4], $0x1400, $0x38;
	[tilespmem:$0x1FF00] =	vst v63  }
.LBB2_10:
0xaa: {  	_ =	sfence.sel $0x180000  }
0xab: {  	[bflag:$0x0] =	sbarrier.arrive $0xFFFF  }
0xac: {  	_ =	strace $0x9000004A  }
0xad: {  	[bflag:$0x2] =	sbarrier.arrive $0xFFFF  }
0xae: {  	s0 =	rddreg [dreg:$0x2]  }
0xaf: {  	s0 =	sadd.s32 @!p0 $0x100000, s0  }
0xb0: {  	[sflag:s0] =	ssyncadd.tile.s32 @!p0 $0x1;
	_ =	shalt  }
.Lfunc_end2:
_tile_overlayer_lowered:
.L_overlay_start_2:
0xb1: {  	(tag) =	ssettag $0x2  }
0xb2: {  	s0 =	rddreg [dreg:$0x0];
	s2 =	stileid.u32  }
0xb3: {  	s1 =	rddreg [dreg:$0x1];
	p0 =	sne.s32 s2, $0x0  }
0xb4: {  	s3 =	rddreg [dreg:$0x2];
	[bflag:$0x3] =	sbarrier.arrive $0xFFFF;
	s2 =	simm.s32 @!p0 $0x1C05  }
0xb5: {  	[timem:s3], [sflag:s2] =	dma.local @!p0 [hbm:s0], s1  }
0xb6: {  	s0 =	simm.s32 @!p0 $0x5  }
0xb7: {  	_ =	swait.ge @!p0 [sflag:s0], s1  }
0xb8: {  	s1 =	ssub.s32 @!p0 $0x0, s1;
	[sflag:s0] =	ssyncset.done @!p0 $0x0  }
0xb9: {  	[sflag:s0] =	ssyncadd.s32 @!p0 s1  }
0xba: {  	[bflag:$0x3] =	sbarrier.arrive $0xFFFF  }
0xbb: {  	_ =	shalt  }

</sc_bundles>
